<compile_context>
chip_gen: v7x
topology: tpu7x:2x2x1
jax: 0.10.2.dev20260603
libtpu: 0.0.44.dev20260713+nightly
codegen_flags: <defaults>
</compile_context>

<pallas_src>
import functools
import math

import jax
import jax.numpy as jnp
from jax import lax
from jax.experimental import pallas as pl
from jax.experimental.pallas import tpu as pltpu
from jax.experimental.pallas import tpu_sc as plsc

_V = 32000
_SMOOTHING = 0.1
_CONF = 1.0 - _SMOOTHING
_EPS = _SMOOTHING / _V

_TC_BLOCK = 256
_SC_ROWS = 3072
_LANES = 16
_CHUNK_COLS = 3200
_N_CHUNKS = _V // _CHUNK_COLS


def _loss_block_kernel(x_ref, tgt_ref, out_ref):
    x = x_ref[...]
    tgt = tgt_ref[0, 0, :]
    r, v = x.shape
    cols = jax.lax.broadcasted_iota(jnp.int32, (r, v), 1)
    hit = cols == tgt[:, None]
    gathered = jnp.sum(jnp.where(hit, x, 0.0))
    total = jnp.sum(x)
    partial = -_EPS * total - (_CONF - _EPS) * gathered
    out_ref[...] = partial.reshape(1, 1, 1)


def _tree_sum(vecs):
    while len(vecs) > 1:
        vecs = [a + b for a, b in zip(vecs[::2], vecs[1::2])]
    return vecs[0]


def _make_sc_sum(tc_rows):
    info = plsc.get_sparse_core_info()
    nc, ns = info.num_cores, info.num_subcores
    nw = nc * ns
    rpw = _SC_ROWS // nw
    groups = rpw // _LANES

    mesh = plsc.VectorSubcoreMesh(core_axis_name="c", subcore_axis_name="s")

    @functools.partial(
        pl.kernel,
        mesh=mesh,
        out_type=jax.ShapeDtypeStruct((nw * _LANES,), jnp.float32),
        scratch_types=[
            pltpu.VMEM((rpw,), jnp.int32),
            pltpu.VMEM((_LANES, _CHUNK_COLS), jnp.float32),
            pltpu.VMEM((_LANES, _CHUNK_COLS), jnp.float32),
            pltpu.VMEM((_LANES,), jnp.float32),
            pltpu.SemaphoreType.DMA,
            pltpu.SemaphoreType.DMA,
        ],
    )
    def sc_sum(x_hbm, tgt_hbm, out_hbm, tgt_v, buf0_v, buf1_v, part_v,
               sem0, sem1):
        wid = lax.axis_index("s") * nc + lax.axis_index("c")
        base = tc_rows + wid * rpw
        pltpu.sync_copy(tgt_hbm.at[pl.ds(base, rpw)], tgt_v)
        lanes = lax.iota(jnp.int32, _LANES)
        n_chunks_total = groups * _N_CHUNKS
        bufs = (buf0_v, buf1_v)
        sems = (sem0, sem1)

        def chunk_slices(k):
            row0 = base + (k // _N_CHUNKS) * _LANES
            c0 = (k % _N_CHUNKS) * _CHUNK_COLS
            return row0, c0

        def dma(k, b):
            row0, c0 = chunk_slices(k)
            return pltpu.make_async_copy(
                x_hbm.at[pl.ds(row0, _LANES), pl.ds(c0, _CHUNK_COLS)],
                bufs[b], sems[b])

        def compute(k, b, acc, corr):
            c0 = (k % _N_CHUNKS) * _CHUNK_COLS
            g = k // _N_CHUNKS
            tvec = tgt_v[pl.ds(g * _LANES, _LANES)]
            ts = [tvec[r] for r in range(_LANES)]
            buf = bufs[b]

            def col_body(i, carry):
                a, cr = carry
                colids = (c0 + i * _LANES) + lanes
                vecs = [buf[r, pl.ds(i * _LANES, _LANES)]
                        for r in range(_LANES)]
                hits = [jnp.where(colids == ts[r], vecs[r], 0.0)
                        for r in range(_LANES)]
                return a + _tree_sum(vecs), cr + _tree_sum(hits)

            return lax.fori_loop(
                0, _CHUNK_COLS // _LANES, col_body, (acc, corr))

        dma(0, 0).start()
        dma(1, 1).start()

        def pair_body(i, carry):
            acc, corr = carry
            k = 2 * i
            dma(k, 0).wait()
            acc, corr = compute(k, 0, acc, corr)

            @pl.when(k + 2 < n_chunks_total)
            def _():
                dma(k + 2, 0).start()

            dma(k + 1, 1).wait()
            acc, corr = compute(k + 1, 1, acc, corr)

            @pl.when(k + 3 < n_chunks_total)
            def _():
                dma(k + 3, 1).start()

            return acc, corr

        zero = jnp.zeros((_LANES,), jnp.float32)
        acc, corr = lax.fori_loop(
            0, n_chunks_total // 2, pair_body, (zero, zero))
        part_v[...] = -_EPS * acc - (_CONF - _EPS) * corr
        pltpu.sync_copy(part_v, out_hbm.at[pl.ds(wid * _LANES, _LANES)])

    return sc_sum


def kernel(x, target):
    n, v = x.shape
    tc_rows = n - _SC_ROWS
    g = tc_rows // _TC_BLOCK
    tgt = target.astype(jnp.int32)
    tgt3 = tgt[:tc_rows].reshape(g, 1, _TC_BLOCK)
    tc_partials = pl.pallas_call(
        _loss_block_kernel,
        grid=(g,),
        in_specs=[
            pl.BlockSpec((_TC_BLOCK, v), lambda i: (i, 0)),
            pl.BlockSpec((1, 1, _TC_BLOCK), lambda i: (i, 0, 0)),
        ],
        out_specs=pl.BlockSpec((1, 1, 1), lambda i: (i, 0, 0)),
        out_shape=jax.ShapeDtypeStruct((g, 1, 1), jnp.float32),
        compiler_params=pltpu.CompilerParams(
            dimension_semantics=("parallel",),
            vmem_limit_bytes=128 * 1024 * 1024,
        ),
    )(x, tgt3)
    sc_partials = _make_sc_sum(tc_rows)(x, tgt)
    const = n * ((v - 1) * _EPS * math.log(_EPS) + _CONF * math.log(_CONF))
    return jnp.float32(const) + jnp.sum(tc_partials) + jnp.sum(sc_partials)

# --- scband reference (transcript-rebuilt; emitter-appended) ---
"""Pipeline reference for scband-label-smoothing-54477365183219 (READ-ONLY COPY).

The authoritative reference and input builder live on the scoring server;
editing this copy changes nothing except your own understanding.
"""

import jax, jax.numpy as jnp
import numpy as np

SIZE = 32000
SMOOTHING = 0.1
CONFIDENCE = 1.0 - SMOOTHING


def setup_inputs(seed: int = 0) -> dict:
    key = jax.random.key(seed)
    k1, k2 = jax.random.split(key)
    x = jax.random.normal(k1, (8192, SIZE), dtype=jnp.float32)
    target = jax.random.randint(k2, (8192,), 0, SIZE, dtype=jnp.int64 if jax.config.jax_enable_x64 else jnp.int32)
    return {"x": x, "target": target}


def reference(x, target):
    # true_dist = fill(smoothing / size), then scatter confidence at target column
    n = x.shape[0]
    true_dist = jnp.full(x.shape, SMOOTHING / SIZE, dtype=x.dtype)
    rows = jnp.arange(n)
    true_dist = true_dist.at[rows, target].set(CONFIDENCE)
    # KLDivLoss(reduction='sum'): sum(true_dist * (log(true_dist) - x))
    loss = jnp.sum(true_dist * (jnp.log(true_dist) - x))
    return loss

if __name__ == "__main__":
    import jax
    _d = setup_inputs()
    print(jax.jit(kernel)(*tuple(_d.values())))

</pallas_src>

<mosaic_0001>
#map = affine_map<(d0, d1) -> (0, 0)>
#map1 = affine_map<(d0, d1) -> (0)>
module attributes {stable_mosaic.version = 14 : i64} {
  func.func @sc_sum(%arg0: i32, %arg1: i32, %arg2: memref<8192x32000xf32, #tpu.memory_space<hbm>>, %arg3: memref<8192xi32, #tpu.memory_space<hbm>>, %arg4: memref<512xf32, #tpu.memory_space<hbm>>, %arg5: memref<96xi32, #tpu.memory_space<vmem>>, %arg6: memref<16x3200xf32, #tpu.memory_space<vmem>>, %arg7: memref<16x3200xf32, #tpu.memory_space<vmem>>, %arg8: memref<16xf32, #tpu.memory_space<vmem>>, %arg9: memref<!tpu.dma_semaphore, #tpu.memory_space<semaphore_mem>>, %arg10: memref<!tpu.dma_semaphore, #tpu.memory_space<semaphore_mem>>) attributes {dimension_semantics = [#tpu.dimension_semantics<core_parallel>, #tpu.dimension_semantics<subcore_parallel>], iteration_bounds = array<i64: 2, 16>, scalar_prefetch = 0 : i64, scratch_operands = 6 : i64, tpu.core_type = #tpu.core_type<sc_vector_subcore>, window_params = [{transform_indices = #map}, {transform_indices = #map1}, {transform_indices = #map1}]} {
    %mul3A = arith.constant 2 : i32
    %mul3A_0 = arith.muli %arg1, %mul3A : i32
    %add3A = arith.addi %mul3A_0, %arg0 : i32
    %mul3A_1 = arith.constant 96 : i32
    %mul3A_2 = arith.muli %add3A, %mul3A_1 : i32
    %add3A_3 = arith.constant 5120 : i32
    %add3A_4 = arith.addi %add3A_3, %mul3A_2 : i32
    "tpu.region"() ({
      %run_scoped3A = tpu.sem_alloc : memref<!tpu.dma_semaphore, #tpu.memory_space<semaphore_mem>>
      %dma_start3A_33 = tpu.memref_slice %arg3[%add3A_4] : memref<8192xi32, #tpu.memory_space<hbm>> -> memref<96xi32, #tpu.memory_space<hbm>>
      %dma_start3A_34 = tpu.memref_slice %arg3[%add3A_4] : memref<8192xi32, #tpu.memory_space<hbm>> -> memref<96xi32, #tpu.memory_space<hbm>>
      tpu.enqueue_dma source(%dma_start3A_34 : memref<96xi32, #tpu.memory_space<hbm>>) target(%arg5 : memref<96xi32, #tpu.memory_space<vmem>>) target_semaphore(%run_scoped3A : memref<!tpu.dma_semaphore, #tpu.memory_space<semaphore_mem>>)
      %dma_wait3A = tpu.memref_slice %arg3[%add3A_4] : memref<8192xi32, #tpu.memory_space<hbm>> -> memref<96xi32, #tpu.memory_space<hbm>>
      %dma_wait3A_35 = tpu.memref_slice %arg3[%add3A_4] : memref<8192xi32, #tpu.memory_space<hbm>> -> memref<96xi32, #tpu.memory_space<hbm>>
      tpu.wait_dma2 semaphore(%run_scoped3A : memref<!tpu.dma_semaphore, #tpu.memory_space<semaphore_mem>>) src(%dma_wait3A_35 : memref<96xi32, #tpu.memory_space<hbm>>) dst(%arg5 : memref<96xi32, #tpu.memory_space<vmem>>)
      tpu.yield
    }) : () -> ()
    %iota3A = tpu.iota {dimensions = array<i32: 0>} : vector<16xi32>
    %add3A_5 = arith.constant 0 : i32
    %add3A_6 = arith.addi %add3A_4, %add3A_5 : i32
    %dma_start3A = arith.constant 0 : i32
    %dma_start3A_7 = tpu.memref_slice %arg2[%add3A_6, %dma_start3A] : memref<8192x32000xf32, #tpu.memory_space<hbm>> -> memref<16x3200xf32, #tpu.memory_space<hbm>>
    %dma_start3A_8 = arith.constant 0 : i32
    %dma_start3A_9 = tpu.memref_slice %arg2[%add3A_6, %dma_start3A_8] : memref<8192x32000xf32, #tpu.memory_space<hbm>> -> memref<16x3200xf32, #tpu.memory_space<hbm>>
    tpu.enqueue_dma source(%dma_start3A_9 : memref<16x3200xf32, #tpu.memory_space<hbm>>) target(%arg6 : memref<16x3200xf32, #tpu.memory_space<vmem>>) target_semaphore(%arg9 : memref<!tpu.dma_semaphore, #tpu.memory_space<semaphore_mem>>)
    %add3A_10 = arith.constant 0 : i32
    %add3A_11 = arith.addi %add3A_4, %add3A_10 : i32
    %dma_start3A_12 = arith.constant 3200 : i32
    %dma_start3A_13 = tpu.memref_slice %arg2[%add3A_11, %dma_start3A_12] : memref<8192x32000xf32, #tpu.memory_space<hbm>> -> memref<16x3200xf32, #tpu.memory_space<hbm>>
    %dma_start3A_14 = arith.constant 3200 : i32
    %dma_start3A_15 = tpu.memref_slice %arg2[%add3A_11, %dma_start3A_14] : memref<8192x32000xf32, #tpu.memory_space<hbm>> -> memref<16x3200xf32, #tpu.memory_space<hbm>>
    tpu.enqueue_dma source(%dma_start3A_15 : memref<16x3200xf32, #tpu.memory_space<hbm>>) target(%arg7 : memref<16x3200xf32, #tpu.memory_space<vmem>>) target_semaphore(%arg10 : memref<!tpu.dma_semaphore, #tpu.memory_space<semaphore_mem>>)
    %broadcast_in_dim3A = arith.constant 0.000000e+00 : f32
    %broadcast_in_dim3A_16 = vector.broadcast %broadcast_in_dim3A : f32 to vector<16xf32>
    %scan3A = arith.constant 0 : i32
    %scan3A_17 = arith.constant 30 : i32
    %scan3A_18 = arith.addi %scan3A, %scan3A_17 : i32
    %scan3A_19 = arith.constant 1 : i32
    %scan3A_20:2 = scf.for %scan3A_33 = %scan3A to %scan3A_18 step %scan3A_19 iter_args(%scan3A_34 = %broadcast_in_dim3A_16, %scan3A_35 = %broadcast_in_dim3A_16) -> (vector<16xf32>, vector<16xf32>)  : i32 {
      %mul3A_36 = arith.constant 2 : i32
      %mul3A_37 = arith.muli %mul3A_36, %scan3A_33 : i32
      %jit3A = arith.constant 10 : i32
      %div3A = arith.divsi %mul3A_37, %jit3A : i32
      %sign3A = arith.constant 0 : i32
      %sign3A_38 = arith.cmpi sgt, %mul3A_37, %sign3A : i32
      %sign3A_39 = arith.extui %sign3A_38 : i1 to i32
      %sign3A_40 = arith.constant 0 : i32
      %sign3A_41 = arith.cmpi slt, %mul3A_37, %sign3A_40 : i32
      %sign3A_42 = arith.extui %sign3A_41 : i1 to i32
      %sign3A_43 = arith.subi %sign3A_39, %sign3A_42 : i32
      %sign3A_44 = arith.constant 0 : i32
      %sign3A_45 = arith.cmpi sgt, %jit3A, %sign3A_44 : i32
      %sign3A_46 = arith.extui %sign3A_45 : i1 to i32
      %sign3A_47 = arith.constant 0 : i32
      %sign3A_48 = arith.cmpi slt, %jit3A, %sign3A_47 : i32
      %sign3A_49 = arith.extui %sign3A_48 : i1 to i32
      %sign3A_50 = arith.subi %sign3A_46, %sign3A_49 : i32
      %ne3A = arith.cmpi ne, %sign3A_43, %sign3A_50 : i32
      %rem3A = arith.remsi %mul3A_37, %jit3A : i32
      %ne3A_51 = arith.constant 0 : i32
      %ne3A_52 = arith.cmpi ne, %rem3A, %ne3A_51 : i32
      %and3A = arith.andi %ne3A, %ne3A_52 : i1
      %sub3A_53 = arith.constant 1 : i32
      %sub3A_54 = arith.subi %div3A, %sub3A_53 : i32
      %select_n3A = arith.select %and3A, %sub3A_54, %div3A : i32
      %mul3A_55 = arith.constant 16 : i32
      %mul3A_56 = arith.muli %select_n3A, %mul3A_55 : i32
      %add3A_57 = arith.addi %add3A_4, %mul3A_56 : i32
      %jit3A_58 = arith.constant 10 : i32
      %eq3A = arith.constant 0 : i32
      %eq3A_59 = arith.cmpi eq, %jit3A_58, %eq3A : i32
      %jit3A_60 = arith.constant 1 : i32
      %select_n3A_61 = arith.select %eq3A_59, %jit3A_60, %jit3A_58 : i32
      %rem3A_62 = arith.remsi %mul3A_37, %select_n3A_61 : i32
      %ne3A_63 = arith.constant 0 : i32
      %ne3A_64 = arith.cmpi ne, %rem3A_62, %ne3A_63 : i32
      %lt3A = arith.constant 0 : i32
      %lt3A_65 = arith.cmpi slt, %rem3A_62, %lt3A : i32
      %lt3A_66 = arith.constant 0 : i32
      %lt3A_67 = arith.cmpi slt, %select_n3A_61, %lt3A_66 : i32
      %ne3A_68 = arith.xori %lt3A_65, %lt3A_67 : i1
      %and3A_69 = arith.andi %ne3A_68, %ne3A_64 : i1
      %add3A_70 = arith.addi %rem3A_62, %select_n3A_61 : i32
      %select_n3A_71 = arith.select %and3A_69, %add3A_70, %rem3A_62 : i32
      %mul3A_72 = arith.constant 3200 : i32
      %mul3A_73 = arith.muli %select_n3A_71, %mul3A_72 : i32
      %dma_wait3A = tpu.memref_slice %arg2[%add3A_57, %mul3A_73] : memref<8192x32000xf32, #tpu.memory_space<hbm>> -> memref<16x3200xf32, #tpu.memory_space<hbm>>
      %dma_wait3A_74 = tpu.memref_slice %arg2[%add3A_57, %mul3A_73] : memref<8192x32000xf32, #tpu.memory_space<hbm>> -> memref<16x3200xf32, #tpu.memory_space<hbm>>
      tpu.wait_dma2 semaphore(%arg9 : memref<!tpu.dma_semaphore, #tpu.memory_space<semaphore_mem>>) src(%dma_wait3A_74 : memref<16x3200xf32, #tpu.memory_space<hbm>>) dst(%arg6 : memref<16x3200xf32, #tpu.memory_space<vmem>>)
      %jit3A_75 = arith.constant 10 : i32
      %eq3A_76 = arith.constant 0 : i32
      %eq3A_77 = arith.cmpi eq, %jit3A_75, %eq3A_76 : i32
      %jit3A_78 = arith.constant 1 : i32
      %select_n3A_79 = arith.select %eq3A_77, %jit3A_78, %jit3A_75 : i32
      %rem3A_80 = arith.remsi %mul3A_37, %select_n3A_79 : i32
      %ne3A_81 = arith.constant 0 : i32
      %ne3A_82 = arith.cmpi ne, %rem3A_80, %ne3A_81 : i32
      %lt3A_83 = arith.constant 0 : i32
      %lt3A_84 = arith.cmpi slt, %rem3A_80, %lt3A_83 : i32
      %lt3A_85 = arith.constant 0 : i32
      %lt3A_86 = arith.cmpi slt, %select_n3A_79, %lt3A_85 : i32
      %ne3A_87 = arith.xori %lt3A_84, %lt3A_86 : i1
      %and3A_88 = arith.andi %ne3A_87, %ne3A_82 : i1
      %add3A_89 = arith.addi %rem3A_80, %select_n3A_79 : i32
      %select_n3A_90 = arith.select %and3A_88, %add3A_89, %rem3A_80 : i32
      %mul3A_91 = arith.constant 3200 : i32
      %mul3A_92 = arith.muli %select_n3A_90, %mul3A_91 : i32
      %jit3A_93 = arith.constant 10 : i32
      %div3A_94 = arith.divsi %mul3A_37, %jit3A_93 : i32
      %sign3A_95 = arith.constant 0 : i32
      %sign3A_96 = arith.cmpi sgt, %mul3A_37, %sign3A_95 : i32
      %sign3A_97 = arith.extui %sign3A_96 : i1 to i32
      %sign3A_98 = arith.constant 0 : i32
      %sign3A_99 = arith.cmpi slt, %mul3A_37, %sign3A_98 : i32
      %sign3A_100 = arith.extui %sign3A_99 : i1 to i32
      %sign3A_101 = arith.subi %sign3A_97, %sign3A_100 : i32
      %sign3A_102 = arith.constant 0 : i32
      %sign3A_103 = arith.cmpi sgt, %jit3A_93, %sign3A_102 : i32
      %sign3A_104 = arith.extui %sign3A_103 : i1 to i32
      %sign3A_105 = arith.constant 0 : i32
      %sign3A_106 = arith.cmpi slt, %jit3A_93, %sign3A_105 : i32
      %sign3A_107 = arith.extui %sign3A_106 : i1 to i32
      %sign3A_108 = arith.subi %sign3A_104, %sign3A_107 : i32
      %ne3A_109 = arith.cmpi ne, %sign3A_101, %sign3A_108 : i32
      %rem3A_110 = arith.remsi %mul3A_37, %jit3A_93 : i32
      %ne3A_111 = arith.constant 0 : i32
      %ne3A_112 = arith.cmpi ne, %rem3A_110, %ne3A_111 : i32
      %and3A_113 = arith.andi %ne3A_109, %ne3A_112 : i1
      %sub3A_114 = arith.constant 1 : i32
      %sub3A_115 = arith.subi %div3A_94, %sub3A_114 : i32
      %select_n3A_116 = arith.select %and3A_113, %sub3A_115, %div3A_94 : i32
      %mul3A_117 = arith.constant 16 : i32
      %mul3A_118 = arith.muli %select_n3A_116, %mul3A_117 : i32
      %get3A = arith.index_cast %mul3A_118 : i32 to index
      %get3A_119 = tpu.vector_load %arg5[%get3A] {strides = array<i32>} : memref<96xi32, #tpu.memory_space<vmem>>, vector<16xi32>,
      %get3A_120 = vector.shape_cast %get3A_119 : vector<16xi32> to vector<16xi32>
      %slice3A = vector.extract_strided_slice %get3A_120 {offsets = [0], sizes = [1], strides = [1]} : vector<16xi32> to vector<1xi32>
      %squeeze3A = vector.extract %slice3A[0] : i32 from vector<1xi32>
      %slice3A_121 = vector.extract_strided_slice %get3A_120 {offsets = [1], sizes = [1], strides = [1]} : vector<16xi32> to vector<1xi32>
      %squeeze3A_122 = vector.extract %slice3A_121[0] : i32 from vector<1xi32>
      %slice3A_123 = vector.extract_strided_slice %get3A_120 {offsets = [2], sizes = [1], strides = [1]} : vector<16xi32> to vector<1xi32>
      %squeeze3A_124 = vector.extract %slice3A_123[0] : i32 from vector<1xi32>
      %slice3A_125 = vector.extract_strided_slice %get3A_120 {offsets = [3], sizes = [1], strides = [1]} : vector<16xi32> to vector<1xi32>
      %squeeze3A_126 = vector.extract %slice3A_125[0] : i32 from vector<1xi32>
      %slice3A_127 = vector.extract_strided_slice %get3A_120 {offsets = [4], sizes = [1], strides = [1]} : vector<16xi32> to vector<1xi32>
      %squeeze3A_128 = vector.extract %slice3A_127[0] : i32 from vector<1xi32>
      %slice3A_129 = vector.extract_strided_slice %get3A_120 {offsets = [5], sizes = [1], strides = [1]} : vector<16xi32> to vector<1xi32>
      %squeeze3A_130 = vector.extract %slice3A_129[0] : i32 from vector<1xi32>
      %slice3A_131 = vector.extract_strided_slice %get3A_120 {offsets = [6], sizes = [1], strides = [1]} : vector<16xi32> to vector<1xi32>
      %squeeze3A_132 = vector.extract %slice3A_131[0] : i32 from vector<1xi32>
      %slice3A_133 = vector.extract_strided_slice %get3A_120 {offsets = [7], sizes = [1], strides = [1]} : vector<16xi32> to vector<1xi32>
      %squeeze3A_134 = vector.extract %slice3A_133[0] : i32 from vector<1xi32>
      %slice3A_135 = vector.extract_strided_slice %get3A_120 {offsets = [8], sizes = [1], strides = [1]} : vector<16xi32> to vector<1xi32>
      %squeeze3A_136 = vector.extract %slice3A_135[0] : i32 from vector<1xi32>
      %slice3A_137 = vector.extract_strided_slice %get3A_120 {offsets = [9], sizes = [1], strides = [1]} : vector<16xi32> to vector<1xi32>
      %squeeze3A_138 = vector.extract %slice3A_137[0] : i32 from vector<1xi32>
      %slice3A_139 = vector.extract_strided_slice %get3A_120 {offsets = [10], sizes = [1], strides = [1]} : vector<16xi32> to vector<1xi32>
      %squeeze3A_140 = vector.extract %slice3A_139[0] : i32 from vector<1xi32>
      %slice3A_141 = vector.extract_strided_slice %get3A_120 {offsets = [11], sizes = [1], strides = [1]} : vector<16xi32> to vector<1xi32>
      %squeeze3A_142 = vector.extract %slice3A_141[0] : i32 from vector<1xi32>
      %slice3A_143 = vector.extract_strided_slice %get3A_120 {offsets = [12], sizes = [1], strides = [1]} : vector<16xi32> to vector<1xi32>
      %squeeze3A_144 = vector.extract %slice3A_143[0] : i32 from vector<1xi32>
      %slice3A_145 = vector.extract_strided_slice %get3A_120 {offsets = [13], sizes = [1], strides = [1]} : vector<16xi32> to vector<1xi32>
      %squeeze3A_146 = vector.extract %slice3A_145[0] : i32 from vector<1xi32>
      %slice3A_147 = vector.extract_strided_slice %get3A_120 {offsets = [14], sizes = [1], strides = [1]} : vector<16xi32> to vector<1xi32>
      %squeeze3A_148 = vector.extract %slice3A_147[0] : i32 from vector<1xi32>
      %slice3A_149 = vector.extract_strided_slice %get3A_120 {offsets = [15], sizes = [1], strides = [1]} : vector<16xi32> to vector<1xi32>
      %squeeze3A_150 = vector.extract %slice3A_149[0] : i32 from vector<1xi32>
      %scan3A_151 = arith.constant 0 : i32
      %scan3A_152 = arith.constant 200 : i32
      %scan3A_153 = arith.addi %scan3A_151, %scan3A_152 : i32
      %scan3A_154 = arith.constant 1 : i32
      %scan3A_155:2 = scf.for %scan3A_305 = %scan3A_151 to %scan3A_153 step %scan3A_154 iter_args(%scan3A_306 = %scan3A_34, %scan3A_307 = %scan3A_35) -> (vector<16xf32>, vector<16xf32>)  : i32 {
        %mul3A_308 = arith.constant 16 : i32
        %mul3A_309 = arith.muli %scan3A_305, %mul3A_308 : i32
        %add3A_310 = arith.addi %mul3A_92, %mul3A_309 : i32
        %add3A_311 = vector.broadcast %add3A_310 : i32 to vector<16xi32>
        %add3A_312 = arith.addi %add3A_311, %iota3A : vector<16xi32>
        %mul3A_313 = arith.constant 16 : i32
        %mul3A_314 = arith.muli %scan3A_305, %mul3A_313 : i32
        %get3A_315 = arith.constant 0 : i32
        %get3A_316 = arith.index_cast %get3A_315 : i32 to index
        %get3A_317 = arith.index_cast %mul3A_314 : i32 to index
        %get3A_318 = tpu.vector_load %arg6[%get3A_316, %get3A_317] {strides = array<i32>} : memref<16x3200xf32, #tpu.memory_space<vmem>>, vector<1x16xf32>,
        %get3A_319 = vector.shape_cast %get3A_318 : vector<1x16xf32> to vector<16xf32>
        %mul3A_320 = arith.constant 16 : i32
        %mul3A_321 = arith.muli %scan3A_305, %mul3A_320 : i32
        %get3A_322 = arith.constant 1 : i32
        %get3A_323 = arith.index_cast %get3A_322 : i32 to index
        %get3A_324 = arith.index_cast %mul3A_321 : i32 to index
        %get3A_325 = tpu.vector_load %arg6[%get3A_323, %get3A_324] {strides = array<i32>} : memref<16x3200xf32, #tpu.memory_space<vmem>>, vector<1x16xf32>,
        %get3A_326 = vector.shape_cast %get3A_325 : vector<1x16xf32> to vector<16xf32>
        %mul3A_327 = arith.constant 16 : i32
        %mul3A_328 = arith.muli %scan3A_305, %mul3A_327 : i32
        %get3A_329 = arith.constant 2 : i32
        %get3A_330 = arith.index_cast %get3A_329 : i32 to index
        %get3A_331 = arith.index_cast %mul3A_328 : i32 to index
        %get3A_332 = tpu.vector_load %arg6[%get3A_330, %get3A_331] {strides = array<i32>} : memref<16x3200xf32, #tpu.memory_space<vmem>>, vector<1x16xf32>,
        %get3A_333 = vector.shape_cast %get3A_332 : vector<1x16xf32> to vector<16xf32>
        %mul3A_334 = arith.constant 16 : i32
        %mul3A_335 = arith.muli %scan3A_305, %mul3A_334 : i32
        %get3A_336 = arith.constant 3 : i32
        %get3A_337 = arith.index_cast %get3A_336 : i32 to index
        %get3A_338 = arith.index_cast %mul3A_335 : i32 to index
        %get3A_339 = tpu.vector_load %arg6[%get3A_337, %get3A_338] {strides = array<i32>} : memref<16x3200xf32, #tpu.memory_space<vmem>>, vector<1x16xf32>,
        %get3A_340 = vector.shape_cast %get3A_339 : vector<1x16xf32> to vector<16xf32>
        %mul3A_341 = arith.constant 16 : i32
        %mul3A_342 = arith.muli %scan3A_305, %mul3A_341 : i32
        %get3A_343 = arith.constant 4 : i32
        %get3A_344 = arith.index_cast %get3A_343 : i32 to index
        %get3A_345 = arith.index_cast %mul3A_342 : i32 to index
        %get3A_346 = tpu.vector_load %arg6[%get3A_344, %get3A_345] {strides = array<i32>} : memref<16x3200xf32, #tpu.memory_space<vmem>>, vector<1x16xf32>,
        %get3A_347 = vector.shape_cast %get3A_346 : vector<1x16xf32> to vector<16xf32>
        %mul3A_348 = arith.constant 16 : i32
        %mul3A_349 = arith.muli %scan3A_305, %mul3A_348 : i32
        %get3A_350 = arith.constant 5 : i32
        %get3A_351 = arith.index_cast %get3A_350 : i32 to index
        %get3A_352 = arith.index_cast %mul3A_349 : i32 to index
        %get3A_353 = tpu.vector_load %arg6[%get3A_351, %get3A_352] {strides = array<i32>} : memref<16x3200xf32, #tpu.memory_space<vmem>>, vector<1x16xf32>,
        %get3A_354 = vector.shape_cast %get3A_353 : vector<1x16xf32> to vector<16xf32>
        %mul3A_355 = arith.constant 16 : i32
        %mul3A_356 = arith.muli %scan3A_305, %mul3A_355 : i32
        %get3A_357 = arith.constant 6 : i32
        %get3A_358 = arith.index_cast %get3A_357 : i32 to index
        %get3A_359 = arith.index_cast %mul3A_356 : i32 to index
        %get3A_360 = tpu.vector_load %arg6[%get3A_358, %get3A_359] {strides = array<i32>} : memref<16x3200xf32, #tpu.memory_space<vmem>>, vector<1x16xf32>,
        %get3A_361 = vector.shape_cast %get3A_360 : vector<1x16xf32> to vector<16xf32>
        %mul3A_362 = arith.constant 16 : i32
        %mul3A_363 = arith.muli %scan3A_305, %mul3A_362 : i32
        %get3A_364 = arith.constant 7 : i32
        %get3A_365 = arith.index_cast %get3A_364 : i32 to index
        %get3A_366 = arith.index_cast %mul3A_363 : i32 to index
        %get3A_367 = tpu.vector_load %arg6[%get3A_365, %get3A_366] {strides = array<i32>} : memref<16x3200xf32, #tpu.memory_space<vmem>>, vector<1x16xf32>,
        %get3A_368 = vector.shape_cast %get3A_367 : vector<1x16xf32> to vector<16xf32>
        %mul3A_369 = arith.constant 16 : i32
        %mul3A_370 = arith.muli %scan3A_305, %mul3A_369 : i32
        %get3A_371 = arith.constant 8 : i32
        %get3A_372 = arith.index_cast %get3A_371 : i32 to index
        %get3A_373 = arith.index_cast %mul3A_370 : i32 to index
        %get3A_374 = tpu.vector_load %arg6[%get3A_372, %get3A_373] {strides = array<i32>} : memref<16x3200xf32, #tpu.memory_space<vmem>>, vector<1x16xf32>,
        %get3A_375 = vector.shape_cast %get3A_374 : vector<1x16xf32> to vector<16xf32>
        %mul3A_376 = arith.constant 16 : i32
        %mul3A_377 = arith.muli %scan3A_305, %mul3A_376 : i32
        %get3A_378 = arith.constant 9 : i32
        %get3A_379 = arith.index_cast %get3A_378 : i32 to index
        %get3A_380 = arith.index_cast %mul3A_377 : i32 to index
        %get3A_381 = tpu.vector_load %arg6[%get3A_379, %get3A_380] {strides = array<i32>} : memref<16x3200xf32, #tpu.memory_space<vmem>>, vector<1x16xf32>,
        %get3A_382 = vector.shape_cast %get3A_381 : vector<1x16xf32> to vector<16xf32>
        %mul3A_383 = arith.constant 16 : i32
        %mul3A_384 = arith.muli %scan3A_305, %mul3A_383 : i32
        %get3A_385 = arith.constant 10 : i32
        %get3A_386 = arith.index_cast %get3A_385 : i32 to index
        %get3A_387 = arith.index_cast %mul3A_384 : i32 to index
        %get3A_388 = tpu.vector_load %arg6[%get3A_386, %get3A_387] {strides = array<i32>} : memref<16x3200xf32, #tpu.memory_space<vmem>>, vector<1x16xf32>,
        %get3A_389 = vector.shape_cast %get3A_388 : vector<1x16xf32> to vector<16xf32>
        %mul3A_390 = arith.constant 16 : i32
        %mul3A_391 = arith.muli %scan3A_305, %mul3A_390 : i32
        %get3A_392 = arith.constant 11 : i32
        %get3A_393 = arith.index_cast %get3A_392 : i32 to index
        %get3A_394 = arith.index_cast %mul3A_391 : i32 to index
        %get3A_395 = tpu.vector_load %arg6[%get3A_393, %get3A_394] {strides = array<i32>} : memref<16x3200xf32, #tpu.memory_space<vmem>>, vector<1x16xf32>,
        %get3A_396 = vector.shape_cast %get3A_395 : vector<1x16xf32> to vector<16xf32>
        %mul3A_397 = arith.constant 16 : i32
        %mul3A_398 = arith.muli %scan3A_305, %mul3A_397 : i32
        %get3A_399 = arith.constant 12 : i32
        %get3A_400 = arith.index_cast %get3A_399 : i32 to index
        %get3A_401 = arith.index_cast %mul3A_398 : i32 to index
        %get3A_402 = tpu.vector_load %arg6[%get3A_400, %get3A_401] {strides = array<i32>} : memref<16x3200xf32, #tpu.memory_space<vmem>>, vector<1x16xf32>,
        %get3A_403 = vector.shape_cast %get3A_402 : vector<1x16xf32> to vector<16xf32>
        %mul3A_404 = arith.constant 16 : i32
        %mul3A_405 = arith.muli %scan3A_305, %mul3A_404 : i32
        %get3A_406 = arith.constant 13 : i32
        %get3A_407 = arith.index_cast %get3A_406 : i32 to index
        %get3A_408 = arith.index_cast %mul3A_405 : i32 to index
        %get3A_409 = tpu.vector_load %arg6[%get3A_407, %get3A_408] {strides = array<i32>} : memref<16x3200xf32, #tpu.memory_space<vmem>>, vector<1x16xf32>,
        %get3A_410 = vector.shape_cast %get3A_409 : vector<1x16xf32> to vector<16xf32>
        %mul3A_411 = arith.constant 16 : i32
        %mul3A_412 = arith.muli %scan3A_305, %mul3A_411 : i32
        %get3A_413 = arith.constant 14 : i32
        %get3A_414 = arith.index_cast %get3A_413 : i32 to index
        %get3A_415 = arith.index_cast %mul3A_412 : i32 to index
        %get3A_416 = tpu.vector_load %arg6[%get3A_414, %get3A_415] {strides = array<i32>} : memref<16x3200xf32, #tpu.memory_space<vmem>>, vector<1x16xf32>,
        %get3A_417 = vector.shape_cast %get3A_416 : vector<1x16xf32> to vector<16xf32>
        %mul3A_418 = arith.constant 16 : i32
        %mul3A_419 = arith.muli %scan3A_305, %mul3A_418 : i32
        %get3A_420 = arith.constant 15 : i32
        %get3A_421 = arith.index_cast %get3A_420 : i32 to index
        %get3A_422 = arith.index_cast %mul3A_419 : i32 to index
        %get3A_423 = tpu.vector_load %arg6[%get3A_421, %get3A_422] {strides = array<i32>} : memref<16x3200xf32, #tpu.memory_space<vmem>>, vector<1x16xf32>,
        %get3A_424 = vector.shape_cast %get3A_423 : vector<1x16xf32> to vector<16xf32>
        %eq3A_425 = vector.broadcast %squeeze3A : i32 to vector<16xi32>
        %eq3A_426 = arith.cmpi eq, %add3A_312, %eq3A_425 : vector<16xi32>
        %jit3A_427 = arith.constant 0.000000e+00 : f32
        %broadcast_in_dim3A_428 = vector.broadcast %jit3A_427 : f32 to vector<16xf32>
        %select_n3A_429 = arith.select %eq3A_426, %get3A_319, %broadcast_in_dim3A_428 : vector<16xi1>, vector<16xf32>
        %eq3A_430 = vector.broadcast %squeeze3A_122 : i32 to vector<16xi32>
        %eq3A_431 = arith.cmpi eq, %add3A_312, %eq3A_430 : vector<16xi32>
        %jit3A_432 = arith.constant 0.000000e+00 : f32
        %broadcast_in_dim3A_433 = vector.broadcast %jit3A_432 : f32 to vector<16xf32>
        %select_n3A_434 = arith.select %eq3A_431, %get3A_326, %broadcast_in_dim3A_433 : vector<16xi1>, vector<16xf32>
        %eq3A_435 = vector.broadcast %squeeze3A_124 : i32 to vector<16xi32>
        %eq3A_436 = arith.cmpi eq, %add3A_312, %eq3A_435 : vector<16xi32>
        %jit3A_437 = arith.constant 0.000000e+00 : f32
        %broadcast_in_dim3A_438 = vector.broadcast %jit3A_437 : f32 to vector<16xf32>
        %select_n3A_439 = arith.select %eq3A_436, %get3A_333, %broadcast_in_dim3A_438 : vector<16xi1>, vector<16xf32>
        %eq3A_440 = vector.broadcast %squeeze3A_126 : i32 to vector<16xi32>
        %eq3A_441 = arith.cmpi eq, %add3A_312, %eq3A_440 : vector<16xi32>
        %jit3A_442 = arith.constant 0.000000e+00 : f32
        %broadcast_in_dim3A_443 = vector.broadcast %jit3A_442 : f32 to vector<16xf32>
        %select_n3A_444 = arith.select %eq3A_441, %get3A_340, %broadcast_in_dim3A_443 : vector<16xi1>, vector<16xf32>
        %eq3A_445 = vector.broadcast %squeeze3A_128 : i32 to vector<16xi32>
        %eq3A_446 = arith.cmpi eq, %add3A_312, %eq3A_445 : vector<16xi32>
        %jit3A_447 = arith.constant 0.000000e+00 : f32
        %broadcast_in_dim3A_448 = vector.broadcast %jit3A_447 : f32 to vector<16xf32>
        %select_n3A_449 = arith.select %eq3A_446, %get3A_347, %broadcast_in_dim3A_448 : vector<16xi1>, vector<16xf32>
        %eq3A_450 = vector.broadcast %squeeze3A_130 : i32 to vector<16xi32>
        %eq3A_451 = arith.cmpi eq, %add3A_312, %eq3A_450 : vector<16xi32>
        %jit3A_452 = arith.constant 0.000000e+00 : f32
        %broadcast_in_dim3A_453 = vector.broadcast %jit3A_452 : f32 to vector<16xf32>
        %select_n3A_454 = arith.select %eq3A_451, %get3A_354, %broadcast_in_dim3A_453 : vector<16xi1>, vector<16xf32>
        %eq3A_455 = vector.broadcast %squeeze3A_132 : i32 to vector<16xi32>
        %eq3A_456 = arith.cmpi eq, %add3A_312, %eq3A_455 : vector<16xi32>
        %jit3A_457 = arith.constant 0.000000e+00 : f32
        %broadcast_in_dim3A_458 = vector.broadcast %jit3A_457 : f32 to vector<16xf32>
        %select_n3A_459 = arith.select %eq3A_456, %get3A_361, %broadcast_in_dim3A_458 : vector<16xi1>, vector<16xf32>
        %eq3A_460 = vector.broadcast %squeeze3A_134 : i32 to vector<16xi32>
        %eq3A_461 = arith.cmpi eq, %add3A_312, %eq3A_460 : vector<16xi32>
        %jit3A_462 = arith.constant 0.000000e+00 : f32
        %broadcast_in_dim3A_463 = vector.broadcast %jit3A_462 : f32 to vector<16xf32>
        %select_n3A_464 = arith.select %eq3A_461, %get3A_368, %broadcast_in_dim3A_463 : vector<16xi1>, vector<16xf32>
        %eq3A_465 = vector.broadcast %squeeze3A_136 : i32 to vector<16xi32>
        %eq3A_466 = arith.cmpi eq, %add3A_312, %eq3A_465 : vector<16xi32>
        %jit3A_467 = arith.constant 0.000000e+00 : f32
        %broadcast_in_dim3A_468 = vector.broadcast %jit3A_467 : f32 to vector<16xf32>
        %select_n3A_469 = arith.select %eq3A_466, %get3A_375, %broadcast_in_dim3A_468 : vector<16xi1>, vector<16xf32>
        %eq3A_470 = vector.broadcast %squeeze3A_138 : i32 to vector<16xi32>
        %eq3A_471 = arith.cmpi eq, %add3A_312, %eq3A_470 : vector<16xi32>
        %jit3A_472 = arith.constant 0.000000e+00 : f32
        %broadcast_in_dim3A_473 = vector.broadcast %jit3A_472 : f32 to vector<16xf32>
        %select_n3A_474 = arith.select %eq3A_471, %get3A_382, %broadcast_in_dim3A_473 : vector<16xi1>, vector<16xf32>
        %eq3A_475 = vector.broadcast %squeeze3A_140 : i32 to vector<16xi32>
        %eq3A_476 = arith.cmpi eq, %add3A_312, %eq3A_475 : vector<16xi32>
        %jit3A_477 = arith.constant 0.000000e+00 : f32
        %broadcast_in_dim3A_478 = vector.broadcast %jit3A_477 : f32 to vector<16xf32>
        %select_n3A_479 = arith.select %eq3A_476, %get3A_389, %broadcast_in_dim3A_478 : vector<16xi1>, vector<16xf32>
        %eq3A_480 = vector.broadcast %squeeze3A_142 : i32 to vector<16xi32>
        %eq3A_481 = arith.cmpi eq, %add3A_312, %eq3A_480 : vector<16xi32>
        %jit3A_482 = arith.constant 0.000000e+00 : f32
        %broadcast_in_dim3A_483 = vector.broadcast %jit3A_482 : f32 to vector<16xf32>
        %select_n3A_484 = arith.select %eq3A_481, %get3A_396, %broadcast_in_dim3A_483 : vector<16xi1>, vector<16xf32>
        %eq3A_485 = vector.broadcast %squeeze3A_144 : i32 to vector<16xi32>
        %eq3A_486 = arith.cmpi eq, %add3A_312, %eq3A_485 : vector<16xi32>
        %jit3A_487 = arith.constant 0.000000e+00 : f32
        %broadcast_in_dim3A_488 = vector.broadcast %jit3A_487 : f32 to vector<16xf32>
        %select_n3A_489 = arith.select %eq3A_486, %get3A_403, %broadcast_in_dim3A_488 : vector<16xi1>, vector<16xf32>
        %eq3A_490 = vector.broadcast %squeeze3A_146 : i32 to vector<16xi32>
        %eq3A_491 = arith.cmpi eq, %add3A_312, %eq3A_490 : vector<16xi32>
        %jit3A_492 = arith.constant 0.000000e+00 : f32
        %broadcast_in_dim3A_493 = vector.broadcast %jit3A_492 : f32 to vector<16xf32>
        %select_n3A_494 = arith.select %eq3A_491, %get3A_410, %broadcast_in_dim3A_493 : vector<16xi1>, vector<16xf32>
        %eq3A_495 = vector.broadcast %squeeze3A_148 : i32 to vector<16xi32>
        %eq3A_496 = arith.cmpi eq, %add3A_312, %eq3A_495 : vector<16xi32>
        %jit3A_497 = arith.constant 0.000000e+00 : f32
        %broadcast_in_dim3A_498 = vector.broadcast %jit3A_497 : f32 to vector<16xf32>
        %select_n3A_499 = arith.select %eq3A_496, %get3A_417, %broadcast_in_dim3A_498 : vector<16xi1>, vector<16xf32>
        %eq3A_500 = vector.broadcast %squeeze3A_150 : i32 to vector<16xi32>
        %eq3A_501 = arith.cmpi eq, %add3A_312, %eq3A_500 : vector<16xi32>
        %jit3A_502 = arith.constant 0.000000e+00 : f32
        %broadcast_in_dim3A_503 = vector.broadcast %jit3A_502 : f32 to vector<16xf32>
        %select_n3A_504 = arith.select %eq3A_501, %get3A_424, %broadcast_in_dim3A_503 : vector<16xi1>, vector<16xf32>
        %add3A_505 = arith.addf %get3A_319, %get3A_326 : vector<16xf32>
        %add3A_506 = arith.addf %get3A_333, %get3A_340 : vector<16xf32>
        %add3A_507 = arith.addf %get3A_347, %get3A_354 : vector<16xf32>
        %add3A_508 = arith.addf %get3A_361, %get3A_368 : vector<16xf32>
        %add3A_509 = arith.addf %get3A_375, %get3A_382 : vector<16xf32>
        %add3A_510 = arith.addf %get3A_389, %get3A_396 : vector<16xf32>
        %add3A_511 = arith.addf %get3A_403, %get3A_410 : vector<16xf32>
        %add3A_512 = arith.addf %get3A_417, %get3A_424 : vector<16xf32>
        %add3A_513 = arith.addf %add3A_505, %add3A_506 : vector<16xf32>
        %add3A_514 = arith.addf %add3A_507, %add3A_508 : vector<16xf32>
        %add3A_515 = arith.addf %add3A_509, %add3A_510 : vector<16xf32>
        %add3A_516 = arith.addf %add3A_511, %add3A_512 : vector<16xf32>
        %add3A_517 = arith.addf %add3A_513, %add3A_514 : vector<16xf32>
        %add3A_518 = arith.addf %add3A_515, %add3A_516 : vector<16xf32>
        %add3A_519 = arith.addf %add3A_517, %add3A_518 : vector<16xf32>
        %add3A_520 = arith.addf %scan3A_306, %add3A_519 : vector<16xf32>
        %add3A_521 = arith.addf %select_n3A_429, %select_n3A_434 : vector<16xf32>
        %add3A_522 = arith.addf %select_n3A_439, %select_n3A_444 : vector<16xf32>
        %add3A_523 = arith.addf %select_n3A_449, %select_n3A_454 : vector<16xf32>
        %add3A_524 = arith.addf %select_n3A_459, %select_n3A_464 : vector<16xf32>
        %add3A_525 = arith.addf %select_n3A_469, %select_n3A_474 : vector<16xf32>
        %add3A_526 = arith.addf %select_n3A_479, %select_n3A_484 : vector<16xf32>
        %add3A_527 = arith.addf %select_n3A_489, %select_n3A_494 : vector<16xf32>
        %add3A_528 = arith.addf %select_n3A_499, %select_n3A_504 : vector<16xf32>
        %add3A_529 = arith.addf %add3A_521, %add3A_522 : vector<16xf32>
        %add3A_530 = arith.addf %add3A_523, %add3A_524 : vector<16xf32>
        %add3A_531 = arith.addf %add3A_525, %add3A_526 : vector<16xf32>
        %add3A_532 = arith.addf %add3A_527, %add3A_528 : vector<16xf32>
        %add3A_533 = arith.addf %add3A_529, %add3A_530 : vector<16xf32>
        %add3A_534 = arith.addf %add3A_531, %add3A_532 : vector<16xf32>
        %add3A_535 = arith.addf %add3A_533, %add3A_534 : vector<16xf32>
        %add3A_536 = arith.addf %scan3A_307, %add3A_535 : vector<16xf32>
        scf.yield %add3A_520, %add3A_536 : vector<16xf32>, vector<16xf32>
      }
      %scan3A_156 = arith.constant 200 : i32
      %add3A_157 = arith.constant 2 : i32
      %add3A_158 = arith.addi %mul3A_37, %add3A_157 : i32
      %lt3A_159 = arith.constant 60 : i32
      %lt3A_160 = arith.cmpi slt, %add3A_158, %lt3A_159 : i32
      %convert_element_type3A = arith.extui %lt3A_160 : i1 to i32
      %cond3A = arith.constant 0 : i32
      %cond3A_161 = arith.cmpi ne, %convert_element_type3A, %cond3A : i32
      scf.if %cond3A_161 {
        %add3A_305 = arith.constant 2 : i32
        %add3A_306 = arith.addi %mul3A_37, %add3A_305 : i32
        %jit3A_307 = arith.constant 10 : i32
        %div3A_308 = arith.divsi %add3A_306, %jit3A_307 : i32
        %sign3A_309 = arith.constant 0 : i32
        %sign3A_310 = arith.cmpi sgt, %add3A_306, %sign3A_309 : i32
        %sign3A_311 = arith.extui %sign3A_310 : i1 to i32
        %sign3A_312 = arith.constant 0 : i32
        %sign3A_313 = arith.cmpi slt, %add3A_306, %sign3A_312 : i32
        %sign3A_314 = arith.extui %sign3A_313 : i1 to i32
        %sign3A_315 = arith.subi %sign3A_311, %sign3A_314 : i32
        %sign3A_316 = arith.constant 0 : i32
        %sign3A_317 = arith.cmpi sgt, %jit3A_307, %sign3A_316 : i32
        %sign3A_318 = arith.extui %sign3A_317 : i1 to i32
        %sign3A_319 = arith.constant 0 : i32
        %sign3A_320 = arith.cmpi slt, %jit3A_307, %sign3A_319 : i32
        %sign3A_321 = arith.extui %sign3A_320 : i1 to i32
        %sign3A_322 = arith.subi %sign3A_318, %sign3A_321 : i32
        %ne3A_323 = arith.cmpi ne, %sign3A_315, %sign3A_322 : i32
        %rem3A_324 = arith.remsi %add3A_306, %jit3A_307 : i32
        %ne3A_325 = arith.constant 0 : i32
        %ne3A_326 = arith.cmpi ne, %rem3A_324, %ne3A_325 : i32
        %and3A_327 = arith.andi %ne3A_323, %ne3A_326 : i1
        %sub3A_328 = arith.constant 1 : i32
        %sub3A_329 = arith.subi %div3A_308, %sub3A_328 : i32
        %select_n3A_330 = arith.select %and3A_327, %sub3A_329, %div3A_308 : i32
        %mul3A_331 = arith.constant 16 : i32
        %mul3A_332 = arith.muli %select_n3A_330, %mul3A_331 : i32
        %add3A_333 = arith.addi %add3A_4, %mul3A_332 : i32
        %jit3A_334 = arith.constant 10 : i32
        %eq3A_335 = arith.constant 0 : i32
        %eq3A_336 = arith.cmpi eq, %jit3A_334, %eq3A_335 : i32
        %jit3A_337 = arith.constant 1 : i32
        %select_n3A_338 = arith.select %eq3A_336, %jit3A_337, %jit3A_334 : i32
        %rem3A_339 = arith.remsi %add3A_306, %select_n3A_338 : i32
        %ne3A_340 = arith.constant 0 : i32
        %ne3A_341 = arith.cmpi ne, %rem3A_339, %ne3A_340 : i32
        %lt3A_342 = arith.constant 0 : i32
        %lt3A_343 = arith.cmpi slt, %rem3A_339, %lt3A_342 : i32
        %lt3A_344 = arith.constant 0 : i32
        %lt3A_345 = arith.cmpi slt, %select_n3A_338, %lt3A_344 : i32
        %ne3A_346 = arith.xori %lt3A_343, %lt3A_345 : i1
        %and3A_347 = arith.andi %ne3A_346, %ne3A_341 : i1
        %add3A_348 = arith.addi %rem3A_339, %select_n3A_338 : i32
        %select_n3A_349 = arith.select %and3A_347, %add3A_348, %rem3A_339 : i32
        %mul3A_350 = arith.constant 3200 : i32
        %mul3A_351 = arith.muli %select_n3A_349, %mul3A_350 : i32
        %dma_start3A_352 = tpu.memref_slice %arg2[%add3A_333, %mul3A_351] : memref<8192x32000xf32, #tpu.memory_space<hbm>> -> memref<16x3200xf32, #tpu.memory_space<hbm>>
        %dma_start3A_353 = tpu.memref_slice %arg2[%add3A_333, %mul3A_351] : memref<8192x32000xf32, #tpu.memory_space<hbm>> -> memref<16x3200xf32, #tpu.memory_space<hbm>>
        tpu.enqueue_dma source(%dma_start3A_353 : memref<16x3200xf32, #tpu.memory_space<hbm>>) target(%arg6 : memref<16x3200xf32, #tpu.memory_space<vmem>>) target_semaphore(%arg9 : memref<!tpu.dma_semaphore, #tpu.memory_space<semaphore_mem>>)
      } else {
      }
      %add3A_162 = arith.constant 1 : i32
      %add3A_163 = arith.addi %mul3A_37, %add3A_162 : i32
      %jit3A_164 = arith.constant 10 : i32
      %div3A_165 = arith.divsi %add3A_163, %jit3A_164 : i32
      %sign3A_166 = arith.constant 0 : i32
      %sign3A_167 = arith.cmpi sgt, %add3A_163, %sign3A_166 : i32
      %sign3A_168 = arith.extui %sign3A_167 : i1 to i32
      %sign3A_169 = arith.constant 0 : i32
      %sign3A_170 = arith.cmpi slt, %add3A_163, %sign3A_169 : i32
      %sign3A_171 = arith.extui %sign3A_170 : i1 to i32
      %sign3A_172 = arith.subi %sign3A_168, %sign3A_171 : i32
      %sign3A_173 = arith.constant 0 : i32
      %sign3A_174 = arith.cmpi sgt, %jit3A_164, %sign3A_173 : i32
      %sign3A_175 = arith.extui %sign3A_174 : i1 to i32
      %sign3A_176 = arith.constant 0 : i32
      %sign3A_177 = arith.cmpi slt, %jit3A_164, %sign3A_176 : i32
      %sign3A_178 = arith.extui %sign3A_177 : i1 to i32
      %sign3A_179 = arith.subi %sign3A_175, %sign3A_178 : i32
      %ne3A_180 = arith.cmpi ne, %sign3A_172, %sign3A_179 : i32
      %rem3A_181 = arith.remsi %add3A_163, %jit3A_164 : i32
      %ne3A_182 = arith.constant 0 : i32
      %ne3A_183 = arith.cmpi ne, %rem3A_181, %ne3A_182 : i32
      %and3A_184 = arith.andi %ne3A_180, %ne3A_183 : i1
      %sub3A_185 = arith.constant 1 : i32
      %sub3A_186 = arith.subi %div3A_165, %sub3A_185 : i32
      %select_n3A_187 = arith.select %and3A_184, %sub3A_186, %div3A_165 : i32
      %mul3A_188 = arith.constant 16 : i32
      %mul3A_189 = arith.muli %select_n3A_187, %mul3A_188 : i32
      %add3A_190 = arith.addi %add3A_4, %mul3A_189 : i32
      %jit3A_191 = arith.constant 10 : i32
      %eq3A_192 = arith.constant 0 : i32
      %eq3A_193 = arith.cmpi eq, %jit3A_191, %eq3A_192 : i32
      %jit3A_194 = arith.constant 1 : i32
      %select_n3A_195 = arith.select %eq3A_193, %jit3A_194, %jit3A_191 : i32
      %rem3A_196 = arith.remsi %add3A_163, %select_n3A_195 : i32
      %ne3A_197 = arith.constant 0 : i32
      %ne3A_198 = arith.cmpi ne, %rem3A_196, %ne3A_197 : i32
      %lt3A_199 = arith.constant 0 : i32
      %lt3A_200 = arith.cmpi slt, %rem3A_196, %lt3A_199 : i32
      %lt3A_201 = arith.constant 0 : i32
      %lt3A_202 = arith.cmpi slt, %select_n3A_195, %lt3A_201 : i32
      %ne3A_203 = arith.xori %lt3A_200, %lt3A_202 : i1
      %and3A_204 = arith.andi %ne3A_203, %ne3A_198 : i1
      %add3A_205 = arith.addi %rem3A_196, %select_n3A_195 : i32
      %select_n3A_206 = arith.select %and3A_204, %add3A_205, %rem3A_196 : i32
      %mul3A_207 = arith.constant 3200 : i32
      %mul3A_208 = arith.muli %select_n3A_206, %mul3A_207 : i32
      %dma_wait3A_209 = tpu.memref_slice %arg2[%add3A_190, %mul3A_208] : memref<8192x32000xf32, #tpu.memory_space<hbm>> -> memref<16x3200xf32, #tpu.memory_space<hbm>>
      %dma_wait3A_210 = tpu.memref_slice %arg2[%add3A_190, %mul3A_208] : memref<8192x32000xf32, #tpu.memory_space<hbm>> -> memref<16x3200xf32, #tpu.memory_space<hbm>>
      tpu.wait_dma2 semaphore(%arg10 : memref<!tpu.dma_semaphore, #tpu.memory_space<semaphore_mem>>) src(%dma_wait3A_210 : memref<16x3200xf32, #tpu.memory_space<hbm>>) dst(%arg7 : memref<16x3200xf32, #tpu.memory_space<vmem>>)
      %add3A_211 = arith.constant 1 : i32
      %add3A_212 = arith.addi %mul3A_37, %add3A_211 : i32
      %jit3A_213 = arith.constant 10 : i32
      %eq3A_214 = arith.constant 0 : i32
      %eq3A_215 = arith.cmpi eq, %jit3A_213, %eq3A_214 : i32
      %jit3A_216 = arith.constant 1 : i32
      %select_n3A_217 = arith.select %eq3A_215, %jit3A_216, %jit3A_213 : i32
      %rem3A_218 = arith.remsi %add3A_212, %select_n3A_217 : i32
      %ne3A_219 = arith.constant 0 : i32
      %ne3A_220 = arith.cmpi ne, %rem3A_218, %ne3A_219 : i32
      %lt3A_221 = arith.constant 0 : i32
      %lt3A_222 = arith.cmpi slt, %rem3A_218, %lt3A_221 : i32
      %lt3A_223 = arith.constant 0 : i32
      %lt3A_224 = arith.cmpi slt, %select_n3A_217, %lt3A_223 : i32
      %ne3A_225 = arith.xori %lt3A_222, %lt3A_224 : i1
      %and3A_226 = arith.andi %ne3A_225, %ne3A_220 : i1
      %add3A_227 = arith.addi %rem3A_218, %select_n3A_217 : i32
      %select_n3A_228 = arith.select %and3A_226, %add3A_227, %rem3A_218 : i32
      %mul3A_229 = arith.constant 3200 : i32
      %mul3A_230 = arith.muli %select_n3A_228, %mul3A_229 : i32
      %jit3A_231 = arith.constant 10 : i32
      %div3A_232 = arith.divsi %add3A_212, %jit3A_231 : i32
      %sign3A_233 = arith.constant 0 : i32
      %sign3A_234 = arith.cmpi sgt, %add3A_212, %sign3A_233 : i32
      %sign3A_235 = arith.extui %sign3A_234 : i1 to i32
      %sign3A_236 = arith.constant 0 : i32
      %sign3A_237 = arith.cmpi slt, %add3A_212, %sign3A_236 : i32
      %sign3A_238 = arith.extui %sign3A_237 : i1 to i32
      %sign3A_239 = arith.subi %sign3A_235, %sign3A_238 : i32
      %sign3A_240 = arith.constant 0 : i32
      %sign3A_241 = arith.cmpi sgt, %jit3A_231, %sign3A_240 : i32
      %sign3A_242 = arith.extui %sign3A_241 : i1 to i32
      %sign3A_243 = arith.constant 0 : i32
      %sign3A_244 = arith.cmpi slt, %jit3A_231, %sign3A_243 : i32
      %sign3A_245 = arith.extui %sign3A_244 : i1 to i32
      %sign3A_246 = arith.subi %sign3A_242, %sign3A_245 : i32
      %ne3A_247 = arith.cmpi ne, %sign3A_239, %sign3A_246 : i32
      %rem3A_248 = arith.remsi %add3A_212, %jit3A_231 : i32
      %ne3A_249 = arith.constant 0 : i32
      %ne3A_250 = arith.cmpi ne, %rem3A_248, %ne3A_249 : i32
      %and3A_251 = arith.andi %ne3A_247, %ne3A_250 : i1
      %sub3A_252 = arith.constant 1 : i32
      %sub3A_253 = arith.subi %div3A_232, %sub3A_252 : i32
      %select_n3A_254 = arith.select %and3A_251, %sub3A_253, %div3A_232 : i32
      %mul3A_255 = arith.constant 16 : i32
      %mul3A_256 = arith.muli %select_n3A_254, %mul3A_255 : i32
      %get3A_257 = arith.index_cast %mul3A_256 : i32 to index
      %get3A_258 = tpu.vector_load %arg5[%get3A_257] {strides = array<i32>} : memref<96xi32, #tpu.memory_space<vmem>>, vector<16xi32>,
      %get3A_259 = vector.shape_cast %get3A_258 : vector<16xi32> to vector<16xi32>
      %slice3A_260 = vector.extract_strided_slice %get3A_259 {offsets = [0], sizes = [1], strides = [1]} : vector<16xi32> to vector<1xi32>
      %squeeze3A_261 = vector.extract %slice3A_260[0] : i32 from vector<1xi32>
      %slice3A_262 = vector.extract_strided_slice %get3A_259 {offsets = [1], sizes = [1], strides = [1]} : vector<16xi32> to vector<1xi32>
      %squeeze3A_263 = vector.extract %slice3A_262[0] : i32 from vector<1xi32>
      %slice3A_264 = vector.extract_strided_slice %get3A_259 {offsets = [2], sizes = [1], strides = [1]} : vector<16xi32> to vector<1xi32>
      %squeeze3A_265 = vector.extract %slice3A_264[0] : i32 from vector<1xi32>
      %slice3A_266 = vector.extract_strided_slice %get3A_259 {offsets = [3], sizes = [1], strides = [1]} : vector<16xi32> to vector<1xi32>
      %squeeze3A_267 = vector.extract %slice3A_266[0] : i32 from vector<1xi32>
      %slice3A_268 = vector.extract_strided_slice %get3A_259 {offsets = [4], sizes = [1], strides = [1]} : vector<16xi32> to vector<1xi32>
      %squeeze3A_269 = vector.extract %slice3A_268[0] : i32 from vector<1xi32>
      %slice3A_270 = vector.extract_strided_slice %get3A_259 {offsets = [5], sizes = [1], strides = [1]} : vector<16xi32> to vector<1xi32>
      %squeeze3A_271 = vector.extract %slice3A_270[0] : i32 from vector<1xi32>
      %slice3A_272 = vector.extract_strided_slice %get3A_259 {offsets = [6], sizes = [1], strides = [1]} : vector<16xi32> to vector<1xi32>
      %squeeze3A_273 = vector.extract %slice3A_272[0] : i32 from vector<1xi32>
      %slice3A_274 = vector.extract_strided_slice %get3A_259 {offsets = [7], sizes = [1], strides = [1]} : vector<16xi32> to vector<1xi32>
      %squeeze3A_275 = vector.extract %slice3A_274[0] : i32 from vector<1xi32>
      %slice3A_276 = vector.extract_strided_slice %get3A_259 {offsets = [8], sizes = [1], strides = [1]} : vector<16xi32> to vector<1xi32>
      %squeeze3A_277 = vector.extract %slice3A_276[0] : i32 from vector<1xi32>
      %slice3A_278 = vector.extract_strided_slice %get3A_259 {offsets = [9], sizes = [1], strides = [1]} : vector<16xi32> to vector<1xi32>
      %squeeze3A_279 = vector.extract %slice3A_278[0] : i32 from vector<1xi32>
      %slice3A_280 = vector.extract_strided_slice %get3A_259 {offsets = [10], sizes = [1], strides = [1]} : vector<16xi32> to vector<1xi32>
      %squeeze3A_281 = vector.extract %slice3A_280[0] : i32 from vector<1xi32>
      %slice3A_282 = vector.extract_strided_slice %get3A_259 {offsets = [11], sizes = [1], strides = [1]} : vector<16xi32> to vector<1xi32>
      %squeeze3A_283 = vector.extract %slice3A_282[0] : i32 from vector<1xi32>
      %slice3A_284 = vector.extract_strided_slice %get3A_259 {offsets = [12], sizes = [1], strides = [1]} : vector<16xi32> to vector<1xi32>
      %squeeze3A_285 = vector.extract %slice3A_284[0] : i32 from vector<1xi32>
      %slice3A_286 = vector.extract_strided_slice %get3A_259 {offsets = [13], sizes = [1], strides = [1]} : vector<16xi32> to vector<1xi32>
      %squeeze3A_287 = vector.extract %slice3A_286[0] : i32 from vector<1xi32>
      %slice3A_288 = vector.extract_strided_slice %get3A_259 {offsets = [14], sizes = [1], strides = [1]} : vector<16xi32> to vector<1xi32>
      %squeeze3A_289 = vector.extract %slice3A_288[0] : i32 from vector<1xi32>
      %slice3A_290 = vector.extract_strided_slice %get3A_259 {offsets = [15], sizes = [1], strides = [1]} : vector<16xi32> to vector<1xi32>
      %squeeze3A_291 = vector.extract %slice3A_290[0] : i32 from vector<1xi32>
      %scan3A_292 = arith.constant 0 : i32
      %scan3A_293 = arith.constant 200 : i32
      %scan3A_294 = arith.addi %scan3A_292, %scan3A_293 : i32
      %scan3A_295 = arith.constant 1 : i32
      %scan3A_296:2 = scf.for %scan3A_305 = %scan3A_292 to %scan3A_294 step %scan3A_295 iter_args(%scan3A_306 = %scan3A_155#0, %scan3A_307 = %scan3A_155#1) -> (vector<16xf32>, vector<16xf32>)  : i32 {
        %mul3A_308 = arith.constant 16 : i32
        %mul3A_309 = arith.muli %scan3A_305, %mul3A_308 : i32
        %add3A_310 = arith.addi %mul3A_230, %mul3A_309 : i32
        %add3A_311 = vector.broadcast %add3A_310 : i32 to vector<16xi32>
        %add3A_312 = arith.addi %add3A_311, %iota3A : vector<16xi32>
        %mul3A_313 = arith.constant 16 : i32
        %mul3A_314 = arith.muli %scan3A_305, %mul3A_313 : i32
        %get3A_315 = arith.constant 0 : i32
        %get3A_316 = arith.index_cast %get3A_315 : i32 to index
        %get3A_317 = arith.index_cast %mul3A_314 : i32 to index
        %get3A_318 = tpu.vector_load %arg7[%get3A_316, %get3A_317] {strides = array<i32>} : memref<16x3200xf32, #tpu.memory_space<vmem>>, vector<1x16xf32>,
        %get3A_319 = vector.shape_cast %get3A_318 : vector<1x16xf32> to vector<16xf32>
        %mul3A_320 = arith.constant 16 : i32
        %mul3A_321 = arith.muli %scan3A_305, %mul3A_320 : i32
        %get3A_322 = arith.constant 1 : i32
        %get3A_323 = arith.index_cast %get3A_322 : i32 to index
        %get3A_324 = arith.index_cast %mul3A_321 : i32 to index
        %get3A_325 = tpu.vector_load %arg7[%get3A_323, %get3A_324] {strides = array<i32>} : memref<16x3200xf32, #tpu.memory_space<vmem>>, vector<1x16xf32>,
        %get3A_326 = vector.shape_cast %get3A_325 : vector<1x16xf32> to vector<16xf32>
        %mul3A_327 = arith.constant 16 : i32
        %mul3A_328 = arith.muli %scan3A_305, %mul3A_327 : i32
        %get3A_329 = arith.constant 2 : i32
        %get3A_330 = arith.index_cast %get3A_329 : i32 to index
        %get3A_331 = arith.index_cast %mul3A_328 : i32 to index
        %get3A_332 = tpu.vector_load %arg7[%get3A_330, %get3A_331] {strides = array<i32>} : memref<16x3200xf32, #tpu.memory_space<vmem>>, vector<1x16xf32>,
        %get3A_333 = vector.shape_cast %get3A_332 : vector<1x16xf32> to vector<16xf32>
        %mul3A_334 = arith.constant 16 : i32
        %mul3A_335 = arith.muli %scan3A_305, %mul3A_334 : i32
        %get3A_336 = arith.constant 3 : i32
        %get3A_337 = arith.index_cast %get3A_336 : i32 to index
        %get3A_338 = arith.index_cast %mul3A_335 : i32 to index
        %get3A_339 = tpu.vector_load %arg7[%get3A_337, %get3A_338] {strides = array<i32>} : memref<16x3200xf32, #tpu.memory_space<vmem>>, vector<1x16xf32>,
        %get3A_340 = vector.shape_cast %get3A_339 : vector<1x16xf32> to vector<16xf32>
        %mul3A_341 = arith.constant 16 : i32
        %mul3A_342 = arith.muli %scan3A_305, %mul3A_341 : i32
        %get3A_343 = arith.constant 4 : i32
        %get3A_344 = arith.index_cast %get3A_343 : i32 to index
        %get3A_345 = arith.index_cast %mul3A_342 : i32 to index
        %get3A_346 = tpu.vector_load %arg7[%get3A_344, %get3A_345] {strides = array<i32>} : memref<16x3200xf32, #tpu.memory_space<vmem>>, vector<1x16xf32>,
        %get3A_347 = vector.shape_cast %get3A_346 : vector<1x16xf32> to vector<16xf32>
        %mul3A_348 = arith.constant 16 : i32
        %mul3A_349 = arith.muli %scan3A_305, %mul3A_348 : i32
        %get3A_350 = arith.constant 5 : i32
        %get3A_351 = arith.index_cast %get3A_350 : i32 to index
        %get3A_352 = arith.index_cast %mul3A_349 : i32 to index
        %get3A_353 = tpu.vector_load %arg7[%get3A_351, %get3A_352] {strides = array<i32>} : memref<16x3200xf32, #tpu.memory_space<vmem>>, vector<1x16xf32>,
        %get3A_354 = vector.shape_cast %get3A_353 : vector<1x16xf32> to vector<16xf32>
        %mul3A_355 = arith.constant 16 : i32
        %mul3A_356 = arith.muli %scan3A_305, %mul3A_355 : i32
        %get3A_357 = arith.constant 6 : i32
        %get3A_358 = arith.index_cast %get3A_357 : i32 to index
        %get3A_359 = arith.index_cast %mul3A_356 : i32 to index
        %get3A_360 = tpu.vector_load %arg7[%get3A_358, %get3A_359] {strides = array<i32>} : memref<16x3200xf32, #tpu.memory_space<vmem>>, vector<1x16xf32>,
        %get3A_361 = vector.shape_cast %get3A_360 : vector<1x16xf32> to vector<16xf32>
        %mul3A_362 = arith.constant 16 : i32
        %mul3A_363 = arith.muli %scan3A_305, %mul3A_362 : i32
        %get3A_364 = arith.constant 7 : i32
        %get3A_365 = arith.index_cast %get3A_364 : i32 to index
        %get3A_366 = arith.index_cast %mul3A_363 : i32 to index
        %get3A_367 = tpu.vector_load %arg7[%get3A_365, %get3A_366] {strides = array<i32>} : memref<16x3200xf32, #tpu.memory_space<vmem>>, vector<1x16xf32>,
        %get3A_368 = vector.shape_cast %get3A_367 : vector<1x16xf32> to vector<16xf32>
        %mul3A_369 = arith.constant 16 : i32
        %mul3A_370 = arith.muli %scan3A_305, %mul3A_369 : i32
        %get3A_371 = arith.constant 8 : i32
        %get3A_372 = arith.index_cast %get3A_371 : i32 to index
        %get3A_373 = arith.index_cast %mul3A_370 : i32 to index
        %get3A_374 = tpu.vector_load %arg7[%get3A_372, %get3A_373] {strides = array<i32>} : memref<16x3200xf32, #tpu.memory_space<vmem>>, vector<1x16xf32>,
        %get3A_375 = vector.shape_cast %get3A_374 : vector<1x16xf32> to vector<16xf32>
        %mul3A_376 = arith.constant 16 : i32
        %mul3A_377 = arith.muli %scan3A_305, %mul3A_376 : i32
        %get3A_378 = arith.constant 9 : i32
        %get3A_379 = arith.index_cast %get3A_378 : i32 to index
        %get3A_380 = arith.index_cast %mul3A_377 : i32 to index
        %get3A_381 = tpu.vector_load %arg7[%get3A_379, %get3A_380] {strides = array<i32>} : memref<16x3200xf32, #tpu.memory_space<vmem>>, vector<1x16xf32>,
        %get3A_382 = vector.shape_cast %get3A_381 : vector<1x16xf32> to vector<16xf32>
        %mul3A_383 = arith.constant 16 : i32
        %mul3A_384 = arith.muli %scan3A_305, %mul3A_383 : i32
        %get3A_385 = arith.constant 10 : i32
        %get3A_386 = arith.index_cast %get3A_385 : i32 to index
        %get3A_387 = arith.index_cast %mul3A_384 : i32 to index
        %get3A_388 = tpu.vector_load %arg7[%get3A_386, %get3A_387] {strides = array<i32>} : memref<16x3200xf32, #tpu.memory_space<vmem>>, vector<1x16xf32>,
        %get3A_389 = vector.shape_cast %get3A_388 : vector<1x16xf32> to vector<16xf32>
        %mul3A_390 = arith.constant 16 : i32
        %mul3A_391 = arith.muli %scan3A_305, %mul3A_390 : i32
        %get3A_392 = arith.constant 11 : i32
        %get3A_393 = arith.index_cast %get3A_392 : i32 to index
        %get3A_394 = arith.index_cast %mul3A_391 : i32 to index
        %get3A_395 = tpu.vector_load %arg7[%get3A_393, %get3A_394] {strides = array<i32>} : memref<16x3200xf32, #tpu.memory_space<vmem>>, vector<1x16xf32>,
        %get3A_396 = vector.shape_cast %get3A_395 : vector<1x16xf32> to vector<16xf32>
        %mul3A_397 = arith.constant 16 : i32
        %mul3A_398 = arith.muli %scan3A_305, %mul3A_397 : i32
        %get3A_399 = arith.constant 12 : i32
        %get3A_400 = arith.index_cast %get3A_399 : i32 to index
        %get3A_401 = arith.index_cast %mul3A_398 : i32 to index
        %get3A_402 = tpu.vector_load %arg7[%get3A_400, %get3A_401] {strides = array<i32>} : memref<16x3200xf32, #tpu.memory_space<vmem>>, vector<1x16xf32>,
        %get3A_403 = vector.shape_cast %get3A_402 : vector<1x16xf32> to vector<16xf32>
        %mul3A_404 = arith.constant 16 : i32
        %mul3A_405 = arith.muli %scan3A_305, %mul3A_404 : i32
        %get3A_406 = arith.constant 13 : i32
        %get3A_407 = arith.index_cast %get3A_406 : i32 to index
        %get3A_408 = arith.index_cast %mul3A_405 : i32 to index
        %get3A_409 = tpu.vector_load %arg7[%get3A_407, %get3A_408] {strides = array<i32>} : memref<16x3200xf32, #tpu.memory_space<vmem>>, vector<1x16xf32>,
        %get3A_410 = vector.shape_cast %get3A_409 : vector<1x16xf32> to vector<16xf32>
        %mul3A_411 = arith.constant 16 : i32
        %mul3A_412 = arith.muli %scan3A_305, %mul3A_411 : i32
        %get3A_413 = arith.constant 14 : i32
        %get3A_414 = arith.index_cast %get3A_413 : i32 to index
        %get3A_415 = arith.index_cast %mul3A_412 : i32 to index
        %get3A_416 = tpu.vector_load %arg7[%get3A_414, %get3A_415] {strides = array<i32>} : memref<16x3200xf32, #tpu.memory_space<vmem>>, vector<1x16xf32>,
        %get3A_417 = vector.shape_cast %get3A_416 : vector<1x16xf32> to vector<16xf32>
        %mul3A_418 = arith.constant 16 : i32
        %mul3A_419 = arith.muli %scan3A_305, %mul3A_418 : i32
        %get3A_420 = arith.constant 15 : i32
        %get3A_421 = arith.index_cast %get3A_420 : i32 to index
        %get3A_422 = arith.index_cast %mul3A_419 : i32 to index
        %get3A_423 = tpu.vector_load %arg7[%get3A_421, %get3A_422] {strides = array<i32>} : memref<16x3200xf32, #tpu.memory_space<vmem>>, vector<1x16xf32>,
        %get3A_424 = vector.shape_cast %get3A_423 : vector<1x16xf32> to vector<16xf32>
        %eq3A_425 = vector.broadcast %squeeze3A_261 : i32 to vector<16xi32>
        %eq3A_426 = arith.cmpi eq, %add3A_312, %eq3A_425 : vector<16xi32>
        %jit3A_427 = arith.constant 0.000000e+00 : f32
        %broadcast_in_dim3A_428 = vector.broadcast %jit3A_427 : f32 to vector<16xf32>
        %select_n3A_429 = arith.select %eq3A_426, %get3A_319, %broadcast_in_dim3A_428 : vector<16xi1>, vector<16xf32>
        %eq3A_430 = vector.broadcast %squeeze3A_263 : i32 to vector<16xi32>
        %eq3A_431 = arith.cmpi eq, %add3A_312, %eq3A_430 : vector<16xi32>
        %jit3A_432 = arith.constant 0.000000e+00 : f32
        %broadcast_in_dim3A_433 = vector.broadcast %jit3A_432 : f32 to vector<16xf32>
        %select_n3A_434 = arith.select %eq3A_431, %get3A_326, %broadcast_in_dim3A_433 : vector<16xi1>, vector<16xf32>
        %eq3A_435 = vector.broadcast %squeeze3A_265 : i32 to vector<16xi32>
        %eq3A_436 = arith.cmpi eq, %add3A_312, %eq3A_435 : vector<16xi32>
        %jit3A_437 = arith.constant 0.000000e+00 : f32
        %broadcast_in_dim3A_438 = vector.broadcast %jit3A_437 : f32 to vector<16xf32>
        %select_n3A_439 = arith.select %eq3A_436, %get3A_333, %broadcast_in_dim3A_438 : vector<16xi1>, vector<16xf32>
        %eq3A_440 = vector.broadcast %squeeze3A_267 : i32 to vector<16xi32>
        %eq3A_441 = arith.cmpi eq, %add3A_312, %eq3A_440 : vector<16xi32>
        %jit3A_442 = arith.constant 0.000000e+00 : f32
        %broadcast_in_dim3A_443 = vector.broadcast %jit3A_442 : f32 to vector<16xf32>
        %select_n3A_444 = arith.select %eq3A_441, %get3A_340, %broadcast_in_dim3A_443 : vector<16xi1>, vector<16xf32>
        %eq3A_445 = vector.broadcast %squeeze3A_269 : i32 to vector<16xi32>
        %eq3A_446 = arith.cmpi eq, %add3A_312, %eq3A_445 : vector<16xi32>
        %jit3A_447 = arith.constant 0.000000e+00 : f32
        %broadcast_in_dim3A_448 = vector.broadcast %jit3A_447 : f32 to vector<16xf32>
        %select_n3A_449 = arith.select %eq3A_446, %get3A_347, %broadcast_in_dim3A_448 : vector<16xi1>, vector<16xf32>
        %eq3A_450 = vector.broadcast %squeeze3A_271 : i32 to vector<16xi32>
        %eq3A_451 = arith.cmpi eq, %add3A_312, %eq3A_450 : vector<16xi32>
        %jit3A_452 = arith.constant 0.000000e+00 : f32
        %broadcast_in_dim3A_453 = vector.broadcast %jit3A_452 : f32 to vector<16xf32>
        %select_n3A_454 = arith.select %eq3A_451, %get3A_354, %broadcast_in_dim3A_453 : vector<16xi1>, vector<16xf32>
        %eq3A_455 = vector.broadcast %squeeze3A_273 : i32 to vector<16xi32>
        %eq3A_456 = arith.cmpi eq, %add3A_312, %eq3A_455 : vector<16xi32>
        %jit3A_457 = arith.constant 0.000000e+00 : f32
        %broadcast_in_dim3A_458 = vector.broadcast %jit3A_457 : f32 to vector<16xf32>
        %select_n3A_459 = arith.select %eq3A_456, %get3A_361, %broadcast_in_dim3A_458 : vector<16xi1>, vector<16xf32>
        %eq3A_460 = vector.broadcast %squeeze3A_275 : i32 to vector<16xi32>
        %eq3A_461 = arith.cmpi eq, %add3A_312, %eq3A_460 : vector<16xi32>
        %jit3A_462 = arith.constant 0.000000e+00 : f32
        %broadcast_in_dim3A_463 = vector.broadcast %jit3A_462 : f32 to vector<16xf32>
        %select_n3A_464 = arith.select %eq3A_461, %get3A_368, %broadcast_in_dim3A_463 : vector<16xi1>, vector<16xf32>
        %eq3A_465 = vector.broadcast %squeeze3A_277 : i32 to vector<16xi32>
        %eq3A_466 = arith.cmpi eq, %add3A_312, %eq3A_465 : vector<16xi32>
        %jit3A_467 = arith.constant 0.000000e+00 : f32
        %broadcast_in_dim3A_468 = vector.broadcast %jit3A_467 : f32 to vector<16xf32>
        %select_n3A_469 = arith.select %eq3A_466, %get3A_375, %broadcast_in_dim3A_468 : vector<16xi1>, vector<16xf32>
        %eq3A_470 = vector.broadcast %squeeze3A_279 : i32 to vector<16xi32>
        %eq3A_471 = arith.cmpi eq, %add3A_312, %eq3A_470 : vector<16xi32>
        %jit3A_472 = arith.constant 0.000000e+00 : f32
        %broadcast_in_dim3A_473 = vector.broadcast %jit3A_472 : f32 to vector<16xf32>
        %select_n3A_474 = arith.select %eq3A_471, %get3A_382, %broadcast_in_dim3A_473 : vector<16xi1>, vector<16xf32>
        %eq3A_475 = vector.broadcast %squeeze3A_281 : i32 to vector<16xi32>
        %eq3A_476 = arith.cmpi eq, %add3A_312, %eq3A_475 : vector<16xi32>
        %jit3A_477 = arith.constant 0.000000e+00 : f32
        %broadcast_in_dim3A_478 = vector.broadcast %jit3A_477 : f32 to vector<16xf32>
        %select_n3A_479 = arith.select %eq3A_476, %get3A_389, %broadcast_in_dim3A_478 : vector<16xi1>, vector<16xf32>
        %eq3A_480 = vector.broadcast %squeeze3A_283 : i32 to vector<16xi32>
        %eq3A_481 = arith.cmpi eq, %add3A_312, %eq3A_480 : vector<16xi32>
        %jit3A_482 = arith.constant 0.000000e+00 : f32
        %broadcast_in_dim3A_483 = vector.broadcast %jit3A_482 : f32 to vector<16xf32>
        %select_n3A_484 = arith.select %eq3A_481, %get3A_396, %broadcast_in_dim3A_483 : vector<16xi1>, vector<16xf32>
        %eq3A_485 = vector.broadcast %squeeze3A_285 : i32 to vector<16xi32>
        %eq3A_486 = arith.cmpi eq, %add3A_312, %eq3A_485 : vector<16xi32>
        %jit3A_487 = arith.constant 0.000000e+00 : f32
        %broadcast_in_dim3A_488 = vector.broadcast %jit3A_487 : f32 to vector<16xf32>
        %select_n3A_489 = arith.select %eq3A_486, %get3A_403, %broadcast_in_dim3A_488 : vector<16xi1>, vector<16xf32>
        %eq3A_490 = vector.broadcast %squeeze3A_287 : i32 to vector<16xi32>
        %eq3A_491 = arith.cmpi eq, %add3A_312, %eq3A_490 : vector<16xi32>
        %jit3A_492 = arith.constant 0.000000e+00 : f32
        %broadcast_in_dim3A_493 = vector.broadcast %jit3A_492 : f32 to vector<16xf32>
        %select_n3A_494 = arith.select %eq3A_491, %get3A_410, %broadcast_in_dim3A_493 : vector<16xi1>, vector<16xf32>
        %eq3A_495 = vector.broadcast %squeeze3A_289 : i32 to vector<16xi32>
        %eq3A_496 = arith.cmpi eq, %add3A_312, %eq3A_495 : vector<16xi32>
        %jit3A_497 = arith.constant 0.000000e+00 : f32
        %broadcast_in_dim3A_498 = vector.broadcast %jit3A_497 : f32 to vector<16xf32>
        %select_n3A_499 = arith.select %eq3A_496, %get3A_417, %broadcast_in_dim3A_498 : vector<16xi1>, vector<16xf32>
        %eq3A_500 = vector.broadcast %squeeze3A_291 : i32 to vector<16xi32>
        %eq3A_501 = arith.cmpi eq, %add3A_312, %eq3A_500 : vector<16xi32>
        %jit3A_502 = arith.constant 0.000000e+00 : f32
        %broadcast_in_dim3A_503 = vector.broadcast %jit3A_502 : f32 to vector<16xf32>
        %select_n3A_504 = arith.select %eq3A_501, %get3A_424, %broadcast_in_dim3A_503 : vector<16xi1>, vector<16xf32>
        %add3A_505 = arith.addf %get3A_319, %get3A_326 : vector<16xf32>
        %add3A_506 = arith.addf %get3A_333, %get3A_340 : vector<16xf32>
        %add3A_507 = arith.addf %get3A_347, %get3A_354 : vector<16xf32>
        %add3A_508 = arith.addf %get3A_361, %get3A_368 : vector<16xf32>
        %add3A_509 = arith.addf %get3A_375, %get3A_382 : vector<16xf32>
        %add3A_510 = arith.addf %get3A_389, %get3A_396 : vector<16xf32>
        %add3A_511 = arith.addf %get3A_403, %get3A_410 : vector<16xf32>
        %add3A_512 = arith.addf %get3A_417, %get3A_424 : vector<16xf32>
        %add3A_513 = arith.addf %add3A_505, %add3A_506 : vector<16xf32>
        %add3A_514 = arith.addf %add3A_507, %add3A_508 : vector<16xf32>
        %add3A_515 = arith.addf %add3A_509, %add3A_510 : vector<16xf32>
        %add3A_516 = arith.addf %add3A_511, %add3A_512 : vector<16xf32>
        %add3A_517 = arith.addf %add3A_513, %add3A_514 : vector<16xf32>
        %add3A_518 = arith.addf %add3A_515, %add3A_516 : vector<16xf32>
        %add3A_519 = arith.addf %add3A_517, %add3A_518 : vector<16xf32>
        %add3A_520 = arith.addf %scan3A_306, %add3A_519 : vector<16xf32>
        %add3A_521 = arith.addf %select_n3A_429, %select_n3A_434 : vector<16xf32>
        %add3A_522 = arith.addf %select_n3A_439, %select_n3A_444 : vector<16xf32>
        %add3A_523 = arith.addf %select_n3A_449, %select_n3A_454 : vector<16xf32>
        %add3A_524 = arith.addf %select_n3A_459, %select_n3A_464 : vector<16xf32>
        %add3A_525 = arith.addf %select_n3A_469, %select_n3A_474 : vector<16xf32>
        %add3A_526 = arith.addf %select_n3A_479, %select_n3A_484 : vector<16xf32>
        %add3A_527 = arith.addf %select_n3A_489, %select_n3A_494 : vector<16xf32>
        %add3A_528 = arith.addf %select_n3A_499, %select_n3A_504 : vector<16xf32>
        %add3A_529 = arith.addf %add3A_521, %add3A_522 : vector<16xf32>
        %add3A_530 = arith.addf %add3A_523, %add3A_524 : vector<16xf32>
        %add3A_531 = arith.addf %add3A_525, %add3A_526 : vector<16xf32>
        %add3A_532 = arith.addf %add3A_527, %add3A_528 : vector<16xf32>
        %add3A_533 = arith.addf %add3A_529, %add3A_530 : vector<16xf32>
        %add3A_534 = arith.addf %add3A_531, %add3A_532 : vector<16xf32>
        %add3A_535 = arith.addf %add3A_533, %add3A_534 : vector<16xf32>
        %add3A_536 = arith.addf %scan3A_307, %add3A_535 : vector<16xf32>
        scf.yield %add3A_520, %add3A_536 : vector<16xf32>, vector<16xf32>
      }
      %scan3A_297 = arith.constant 200 : i32
      %add3A_298 = arith.constant 3 : i32
      %add3A_299 = arith.addi %mul3A_37, %add3A_298 : i32
      %lt3A_300 = arith.constant 60 : i32
      %lt3A_301 = arith.cmpi slt, %add3A_299, %lt3A_300 : i32
      %convert_element_type3A_302 = arith.extui %lt3A_301 : i1 to i32
      %cond3A_303 = arith.constant 0 : i32
      %cond3A_304 = arith.cmpi ne, %convert_element_type3A_302, %cond3A_303 : i32
      scf.if %cond3A_304 {
        %add3A_305 = arith.constant 3 : i32
        %add3A_306 = arith.addi %mul3A_37, %add3A_305 : i32
        %jit3A_307 = arith.constant 10 : i32
        %div3A_308 = arith.divsi %add3A_306, %jit3A_307 : i32
        %sign3A_309 = arith.constant 0 : i32
        %sign3A_310 = arith.cmpi sgt, %add3A_306, %sign3A_309 : i32
        %sign3A_311 = arith.extui %sign3A_310 : i1 to i32
        %sign3A_312 = arith.constant 0 : i32
        %sign3A_313 = arith.cmpi slt, %add3A_306, %sign3A_312 : i32
        %sign3A_314 = arith.extui %sign3A_313 : i1 to i32
        %sign3A_315 = arith.subi %sign3A_311, %sign3A_314 : i32
        %sign3A_316 = arith.constant 0 : i32
        %sign3A_317 = arith.cmpi sgt, %jit3A_307, %sign3A_316 : i32
        %sign3A_318 = arith.extui %sign3A_317 : i1 to i32
        %sign3A_319 = arith.constant 0 : i32
        %sign3A_320 = arith.cmpi slt, %jit3A_307, %sign3A_319 : i32
        %sign3A_321 = arith.extui %sign3A_320 : i1 to i32
        %sign3A_322 = arith.subi %sign3A_318, %sign3A_321 : i32
        %ne3A_323 = arith.cmpi ne, %sign3A_315, %sign3A_322 : i32
        %rem3A_324 = arith.remsi %add3A_306, %jit3A_307 : i32
        %ne3A_325 = arith.constant 0 : i32
        %ne3A_326 = arith.cmpi ne, %rem3A_324, %ne3A_325 : i32
        %and3A_327 = arith.andi %ne3A_323, %ne3A_326 : i1
        %sub3A_328 = arith.constant 1 : i32
        %sub3A_329 = arith.subi %div3A_308, %sub3A_328 : i32
        %select_n3A_330 = arith.select %and3A_327, %sub3A_329, %div3A_308 : i32
        %mul3A_331 = arith.constant 16 : i32
        %mul3A_332 = arith.muli %select_n3A_330, %mul3A_331 : i32
        %add3A_333 = arith.addi %add3A_4, %mul3A_332 : i32
        %jit3A_334 = arith.constant 10 : i32
        %eq3A_335 = arith.constant 0 : i32
        %eq3A_336 = arith.cmpi eq, %jit3A_334, %eq3A_335 : i32
        %jit3A_337 = arith.constant 1 : i32
        %select_n3A_338 = arith.select %eq3A_336, %jit3A_337, %jit3A_334 : i32
        %rem3A_339 = arith.remsi %add3A_306, %select_n3A_338 : i32
        %ne3A_340 = arith.constant 0 : i32
        %ne3A_341 = arith.cmpi ne, %rem3A_339, %ne3A_340 : i32
        %lt3A_342 = arith.constant 0 : i32
        %lt3A_343 = arith.cmpi slt, %rem3A_339, %lt3A_342 : i32
        %lt3A_344 = arith.constant 0 : i32
        %lt3A_345 = arith.cmpi slt, %select_n3A_338, %lt3A_344 : i32
        %ne3A_346 = arith.xori %lt3A_343, %lt3A_345 : i1
        %and3A_347 = arith.andi %ne3A_346, %ne3A_341 : i1
        %add3A_348 = arith.addi %rem3A_339, %select_n3A_338 : i32
        %select_n3A_349 = arith.select %and3A_347, %add3A_348, %rem3A_339 : i32
        %mul3A_350 = arith.constant 3200 : i32
        %mul3A_351 = arith.muli %select_n3A_349, %mul3A_350 : i32
        %dma_start3A_352 = tpu.memref_slice %arg2[%add3A_333, %mul3A_351] : memref<8192x32000xf32, #tpu.memory_space<hbm>> -> memref<16x3200xf32, #tpu.memory_space<hbm>>
        %dma_start3A_353 = tpu.memref_slice %arg2[%add3A_333, %mul3A_351] : memref<8192x32000xf32, #tpu.memory_space<hbm>> -> memref<16x3200xf32, #tpu.memory_space<hbm>>
        tpu.enqueue_dma source(%dma_start3A_353 : memref<16x3200xf32, #tpu.memory_space<hbm>>) target(%arg7 : memref<16x3200xf32, #tpu.memory_space<vmem>>) target_semaphore(%arg10 : memref<!tpu.dma_semaphore, #tpu.memory_space<semaphore_mem>>)
      } else {
      }
      scf.yield %scan3A_296#0, %scan3A_296#1 : vector<16xf32>, vector<16xf32>
    }
    %scan3A_21 = arith.constant 30 : i32
    %mul3A_22 = arith.constant -3.125000e-06 : f32
    %mul3A_23 = vector.broadcast %mul3A_22 : f32 to vector<16xf32>
    %mul3A_24 = arith.mulf %mul3A_23, %scan3A_20#0 : vector<16xf32>
    %mul3A_25 = arith.constant 0.899996876 : f32
    %mul3A_26 = vector.broadcast %mul3A_25 : f32 to vector<16xf32>
    %mul3A_27 = arith.mulf %mul3A_26, %scan3A_20#1 : vector<16xf32>
    %sub3A = arith.subf %mul3A_24, %mul3A_27 : vector<16xf32>
    %swap3A = arith.constant 0 : index
    %swap3A_28 = tpu.vector_load %arg8[%swap3A] {strides = array<i32>} : memref<16xf32, #tpu.memory_space<vmem>>, vector<16xf32>,
    %swap3A_29 = vector.shape_cast %swap3A_28 : vector<16xf32> to vector<16xf32>
    %swap3A_30 = vector.shape_cast %sub3A : vector<16xf32> to vector<16xf32>
    tpu.vector_store %arg8[%swap3A], %swap3A_30 {strides = array<i32>} : memref<16xf32, #tpu.memory_space<vmem>>, vector<16xf32>,
    %mul3A_31 = arith.constant 16 : i32
    %mul3A_32 = arith.muli %add3A, %mul3A_31 : i32
    "tpu.region"() ({
      %run_scoped3A = tpu.sem_alloc : memref<!tpu.dma_semaphore, #tpu.memory_space<semaphore_mem>>
      %dma_start3A_33 = tpu.memref_slice %arg4[%mul3A_32] : memref<512xf32, #tpu.memory_space<hbm>> -> memref<16xf32, #tpu.memory_space<hbm>>
      %dma_start3A_34 = tpu.memref_slice %arg4[%mul3A_32] : memref<512xf32, #tpu.memory_space<hbm>> -> memref<16xf32, #tpu.memory_space<hbm>>
      tpu.enqueue_dma source(%arg8 : memref<16xf32, #tpu.memory_space<vmem>>) target(%dma_start3A_34 : memref<16xf32, #tpu.memory_space<hbm>>) target_semaphore(%run_scoped3A : memref<!tpu.dma_semaphore, #tpu.memory_space<semaphore_mem>>)
      %dma_wait3A = tpu.memref_slice %arg4[%mul3A_32] : memref<512xf32, #tpu.memory_space<hbm>> -> memref<16xf32, #tpu.memory_space<hbm>>
      %dma_wait3A_35 = tpu.memref_slice %arg4[%mul3A_32] : memref<512xf32, #tpu.memory_space<hbm>> -> memref<16xf32, #tpu.memory_space<hbm>>
      tpu.wait_dma2 semaphore(%run_scoped3A : memref<!tpu.dma_semaphore, #tpu.memory_space<semaphore_mem>>) src(%arg8 : memref<16xf32, #tpu.memory_space<vmem>>) dst(%dma_wait3A_35 : memref<16xf32, #tpu.memory_space<hbm>>)
      tpu.yield
    }) : () -> ()
    return
  }
}

module attributes {stable_mosaic.version = 14 : i64} {
  func.func @_loss_block_kernel(%arg0: i32, %arg1: memref<256x32000xf32, #tpu.memory_space<vmem>>, %arg2: memref<1x1x256xi32, #tpu.memory_space<vmem>>, %arg3: memref<1x1x1xf32, #tpu.memory_space<vmem>>) attributes {dimension_semantics = [#tpu.dimension_semantics<parallel>], iteration_bounds = array<i64: 20>, scalar_prefetch = 0 : i64, scratch_operands = 0 : i64, tpu.core_type = #tpu.core_type<tc>, window_params = [{transform_indices = @transform_0, window_bounds = array<i64: 256, 32000>}, {transform_indices = @transform_1, window_bounds = array<i64: 1, 1, 256>}, {transform_indices = @transform_2, window_bounds = array<i64: 1, 1, 1>}]} {
    %get3A = arith.constant 0 : index
    %get3A_0 = arith.constant 0 : index
    %get3A_1 = vector.load %arg1[%get3A, %get3A_0] : memref<256x32000xf32, #tpu.memory_space<vmem>>, vector<256x32000xf32>
    %get3A_2 = arith.constant 0 : index
    %get3A_3 = arith.constant 0 : index
    %get3A_4 = arith.constant 0 : index
    %get3A_5 = vector.load %arg2[%get3A_2, %get3A_3, %get3A_4] : memref<1x1x256xi32, #tpu.memory_space<vmem>>, vector<1x1x256xi32>
    %get3A_6 = vector.shape_cast %get3A_5 : vector<1x1x256xi32> to vector<256xi32>
    %iota3A = tpu.iota {dimensions = array<i32: 1>} : vector<256x32000xi32>
    %broadcast_in_dim3A = vector.shape_cast %get3A_6 : vector<256xi32> to vector<256x1xi32>
    %eq3A = vector.broadcast %broadcast_in_dim3A : vector<256x1xi32> to vector<256x32000xi32>
    %eq3A_7 = arith.cmpi eq, %iota3A, %eq3A : vector<256x32000xi32>
    %jit3A = arith.constant 0.000000e+00 : f32
    %broadcast_in_dim3A_8 = vector.broadcast %jit3A : f32 to vector<256x32000xf32>
    %select_n3A = arith.select %eq3A_7, %get3A_1, %broadcast_in_dim3A_8 : vector<256x32000xi1>, vector<256x32000xf32>
    %reduce_sum3A = vector.shape_cast %select_n3A : vector<256x32000xf32> to vector<1x256x32000xf32>
    %reduce_sum3A_9 = arith.constant dense<0.000000e+00> : vector<1xf32>
    %reduce_sum3A_10 = vector.multi_reduction <add>, %reduce_sum3A, %reduce_sum3A_9 [1, 2] : vector<1x256x32000xf32> to vector<1xf32>
    %reduce_sum3A_11 = vector.shape_cast %reduce_sum3A_10 : vector<1xf32> to vector<1x1x1xf32>
    %reduce_sum3A_12 = vector.extract %reduce_sum3A_11[0, 0, 0] : f32 from vector<1x1x1xf32>
    %reduce_sum3A_13 = vector.shape_cast %get3A_1 : vector<256x32000xf32> to vector<1x256x32000xf32>
    %reduce_sum3A_14 = arith.constant dense<0.000000e+00> : vector<1xf32>
    %reduce_sum3A_15 = vector.multi_reduction <add>, %reduce_sum3A_13, %reduce_sum3A_14 [1, 2] : vector<1x256x32000xf32> to vector<1xf32>
    %reduce_sum3A_16 = vector.shape_cast %reduce_sum3A_15 : vector<1xf32> to vector<1x1x1xf32>
    %reduce_sum3A_17 = vector.extract %reduce_sum3A_16[0, 0, 0] : f32 from vector<1x1x1xf32>
    %mul3A = arith.constant -3.125000e-06 : f32
    %mul3A_18 = arith.mulf %mul3A, %reduce_sum3A_17 : f32
    %mul3A_19 = arith.constant 0.899996876 : f32
    %mul3A_20 = arith.mulf %mul3A_19, %reduce_sum3A_12 : f32
    %sub3A = arith.subf %mul3A_18, %mul3A_20 : f32
    %reshape3A = vector.broadcast %sub3A : f32 to vector<1x1x1xf32>
    %swap3A = arith.constant 0 : index
    %swap3A_21 = arith.constant 0 : index
    %swap3A_22 = arith.constant 0 : index
    %swap3A_23 = vector.load %arg3[%swap3A, %swap3A_21, %swap3A_22] : memref<1x1x1xf32, #tpu.memory_space<vmem>>, vector<1x1x1xf32>
    tpu.vector_store %arg3[%swap3A, %swap3A_21, %swap3A_22], %reshape3A {strides = array<i32>} : memref<1x1x1xf32, #tpu.memory_space<vmem>>, vector<1x1x1xf32>,
    return
  }
  func.func @transform_0(%arg0: i32) -> (i32, i32) {
    %c0_i32 = arith.constant 0 : i32
    %c0_i32_0 = arith.constant 0 : i32
    return %arg0, %c0_i32 : i32, i32
  }
  func.func @transform_1(%arg0: i32) -> (i32, i32, i32) {
    %c0_i32 = arith.constant 0 : i32
    %c0_i32_0 = arith.constant 0 : i32
    %c0_i32_1 = arith.constant 0 : i32
    return %arg0, %c0_i32, %c0_i32_0 : i32, i32, i32
  }
  func.func @transform_2(%arg0: i32) -> (i32, i32, i32) {
    %c0_i32 = arith.constant 0 : i32
    %c0_i32_0 = arith.constant 0 : i32
    %c0_i32_1 = arith.constant 0 : i32
    return %arg0, %c0_i32, %c0_i32_0 : i32, i32, i32
  }
}

</mosaic_0001>

<sc_bundles>
// kernel: kernel.4.cloned.1.call-start
scs
__scs_entry_jumppad:
0x0: {  	(pc) =	sbr.rel $0x88, $3  }
0x1: {  	(tag) =	ssettag $0x0;
	lr =	simm.s32 $0x1  }
0x2: {  	[smem:$0x3F9F] =	sst lr;
	_ =	strace $0xD0000000  }
0x3: {  	_ = 	snop  }
0x4: {  	_ = 	snop  }
0x5: {  	_ = 	snop  }
0x6: {  	_ = 	snop  }
0x7: {  	_ = 	snop  }
__scs_overlays_trampoline_lowered:
0x8: {  	[smem:$0x3FAE] =	sst s0  }
0x9: {  	[smem:$0x3FAF] =	sst s1  }
0xa: {  	[smem:$0x3FB0] =	sst s2  }
0xb: {  	[smem:$0x3FB1] =	sst s3  }
0xc: {  	[smem:$0x3FB2] =	sst s4  }
0xd: {  	[smem:$0x3FB3] =	sst s5  }
0xe: {  	[smem:$0x3FB4] =	sst s6  }
0xf: {  	[smem:$0x3FB5] =	sst s7  }
0x10: {  	[smem:$0x3FB6] =	sst s8  }
0x11: {  	[smem:$0x3FB7] =	sst s9;
	s0 =	simm.s32 @!p0 $0x0  }
0x12: {  	s1 =	sld [smem:$0x3F9D];
	s0 =	simm.s32 @p0 $0x1  }
0x13: {  	[smem:$0x3FB8] =	sst s0;
	s0 =	simm.s32 @!p1 $0x0  }
0x14: {  	s2 =	sld [smem:$0x3F9C];
	s0 =	simm.s32 @p1 $0x1  }
0x15: {  	[smem:$0x3FB9] =	sst s0;
	s0 =	simm.s32 @!p2 $0x0  }
0x16: {  	s3 =	sld [smem:$0x3FDB];
	s0 =	simm.s32 @p2 $0x1  }
0x17: {  	s4 =	simm.s32 $0x1BF5;
	[smem:$0x3FBB] =	sst s0  }
0x18: {  	s0 =	sld [smem:$0x3F9E];
	_ =	swait.ge [sflag:s4], $0x0  }
0x19: {  	s7 =	sld [smem:$0x3F9F]  }
0x1a: {  	s8 =	sadd.s32 $0xFFFFE003, lr  }
0x1b: {  	s9 =	sadd.s32 $0xFFFFFEF7, lr;
	s5 =	simm.s32 $0xFFFFFFFF;
	p2 =	slt.u32 s8, $0xFFFFF086  }
0x1c: {  	p1 =	slt.u32 s9, $0xF7A;
	s5 =	simm.s32 @!p2 $0x0  }
0x1d: {  	s5 =	simm.s32 @p1 $0x1;
	p0 =	seq.s32 s7, s2  }
0x1e: {  	s7 =	smul.u32 @!p0 $0xF7A, s2;
	p2 =	seq.s32 @!p0 s5, $0x0  }
0x1f: {  	s9 =	smul.u32 $0xF7A, s1;
	s8 =	simm.s32 @!p0 $0x1BF5;
	p2 =	por !p2, p0  }
0x20: {  	[sflag:s8] =	ssyncset.s32 @!p0 $0xFFFFF086;
	s6 =	sadd.s32 @!p0 s3, s7;
	s7 =	simm.s32 @!p0 $0x108  }
0x21: {  	s3 =	sadd.s32 s3, s9;
	s6 =	sadd.s32 @!p0 $0x88, s6;
	s7 =	simm.s32 @p2 $0x1082  }
0x22: {  	[simem:s7], [sflag:s8] =	dma.local @!p0 [hbm:s6], $0xF7A  }
0x23: {  	s9 =	sor.u32 $0xD0000000, s2;
	s6 =	simm.s32 $0x108;
	_ =	swait.ge @!p0 [sflag:s8], $0x0  }
0x24: {  	s3 =	sadd.s32 $0x88, s3;
	s6 =	simm.s32 @!p1 $0x1082;
	[sflag:s4] =	ssyncset.s32 $0xFFFFF086  }
0x25: {  	[simem:s6], [sflag:s4] =	dma.local [hbm:s3], $0xF7A  }
0x26: {  	[smem:$0x3F9F] =	sst s1;
	(tag) =	ssettag s2;
	_ =	strace s9  }
0x27: {  	s1 =	sld [smem:$0x3FAF]  }
0x28: {  	s2 =	sld [smem:$0x3FB0]  }
0x29: {  	s4 =	sld [smem:$0x3FB2]  }
0x2a: {  	p0 =	seq.s32 s5, $0x0;
	s5 =	sld [smem:$0x3FB3]  }
0x2b: {  	s6 =	sld [smem:$0x3FB4]  }
0x2c: {  	s7 =	sld [smem:$0x3FB5]  }
0x2d: {  	s3 =	simm.s32 $0x108;
	s8 =	sld [smem:$0x3FB6]  }
0x2e: {  	s3 =	simm.s32 @!p0 $0x1082;
	s9 =	sld [smem:$0x3FB7]  }
0x2f: {  	lr =	sadd.s32 s0, s3;
	s0 =	sld [smem:$0x3FAE]  }
0x30: {  	s3 =	sld [smem:$0x3FB1]  }
0x31: {  	[smem:$0x3FBA] =	sst s10  }
0x32: {  	s10 =	sld [smem:$0x3FB8];
	_ =	sdelay $0x3  }
0x33: {  	p0 =	seq.s32 s10, $0x1;
	s10 =	sld [smem:$0x3FBA];
	_ =	sdelay $0x3  }
0x34: {  	[smem:$0x3FBA] =	sst s10  }
0x35: {  	s10 =	sld [smem:$0x3FB9];
	_ =	sdelay $0x3  }
0x36: {  	p1 =	seq.s32 s10, $0x1;
	s10 =	sld [smem:$0x3FBA];
	_ =	sdelay $0x3  }
0x37: {  	[smem:$0x3FBA] =	sst s10  }
0x38: {  	s10 =	sld [smem:$0x3FBB]  }
0x39: {  	_ = 	snop;
	(pc) =	sbr.ind lr, $3  }
0x3a: {  	_ = 	snop  }
0x3b: {  	_ = 	snop  }
0x3c: {  	p2 =	seq.s32 s10, $0x1;
	s10 =	sld [smem:$0x3FBA]  }
0x3d: {  	_ =	shalt  }
0x3e: {  	_ =	shalt  }
0x3f: {  	_ =	shalt  }
0x40: {  	_ =	shalt  }
0x41: {  	_ =	shalt  }
0x42: {  	_ =	shalt  }
0x43: {  	_ =	shalt  }
0x44: {  	_ =	shalt  }
0x45: {  	_ =	shalt  }
0x46: {  	_ =	shalt  }
0x47: {  	_ =	shalt  }
0x48: {  	_ =	shalt  }
0x49: {  	_ =	shalt  }
0x4a: {  	_ =	shalt  }
0x4b: {  	_ =	shalt  }
0x4c: {  	_ =	shalt  }
0x4d: {  	_ =	shalt  }
0x4e: {  	_ =	shalt  }
0x4f: {  	_ =	shalt  }
0x50: {  	_ =	shalt  }
0x51: {  	_ =	shalt  }
0x52: {  	_ =	shalt  }
0x53: {  	_ =	shalt  }
0x54: {  	_ =	shalt  }
0x55: {  	_ =	shalt  }
0x56: {  	_ =	shalt  }
0x57: {  	_ =	shalt  }
0x58: {  	_ =	shalt  }
0x59: {  	_ =	shalt  }
0x5a: {  	_ =	shalt  }
0x5b: {  	_ =	shalt  }
0x5c: {  	_ =	shalt  }
0x5d: {  	_ =	shalt  }
0x5e: {  	_ =	shalt  }
0x5f: {  	_ =	shalt  }
0x60: {  	_ =	shalt  }
0x61: {  	_ =	shalt  }
0x62: {  	_ =	shalt  }
0x63: {  	_ =	shalt  }
0x64: {  	_ =	shalt  }
0x65: {  	_ =	shalt  }
0x66: {  	_ =	shalt  }
0x67: {  	_ =	shalt  }
0x68: {  	_ =	shalt  }
0x69: {  	_ =	shalt  }
0x6a: {  	_ =	shalt  }
0x6b: {  	_ =	shalt  }
0x6c: {  	_ =	shalt  }
0x6d: {  	_ =	shalt  }
0x6e: {  	_ =	shalt  }
0x6f: {  	_ =	shalt  }
0x70: {  	_ =	shalt  }
0x71: {  	_ =	shalt  }
0x72: {  	_ =	shalt  }
0x73: {  	_ =	shalt  }
0x74: {  	_ =	shalt  }
0x75: {  	_ =	shalt  }
0x76: {  	_ =	shalt  }
0x77: {  	_ =	shalt  }
0x78: {  	_ =	shalt  }
0x79: {  	_ =	shalt  }
0x7a: {  	_ =	shalt  }
0x7b: {  	_ =	shalt  }
0x7c: {  	_ =	shalt  }
0x7d: {  	_ =	shalt  }
0x7e: {  	_ =	shalt  }
0x7f: {  	_ =	shalt  }
0x80: {  	_ =	shalt  }
0x81: {  	_ =	shalt  }
0x82: {  	_ =	shalt  }
0x83: {  	_ =	shalt  }
0x84: {  	_ =	shalt  }
0x85: {  	_ =	shalt  }
0x86: {  	_ =	shalt  }
0x87: {  	_ =	shalt  }
.Lfunc_end0:
.L_simem_size_0:
called_computation_lowered:
.L_overlay_start_0:
0x88: {  	s2 =	sld [smem:$0x3FD9]  }
0x89: {  	s3 =	sld [smem:$0x3FFE];
	_ =	sdelay $0x1  }
0x8a: {  	s1 =	srdreg.scid  }
0x8b: {  	s0 =	sand.u32 $0x1, s1  }
0x8c: {  	s17 =	sshll.u32 s0, $0xA;
	s2 =	sadd.s32 s3, s2  }
0x8d: {  	s2 =	sadd.s32 s2, s17  }
0x8e: {  	[smem:$0x3FC6] =	sst s2  }
0x8f: {  	_ = 	snop  }
0x90: {  	s2 =	sld [smem:$0x3FC9]  }
0x91: {  	s18 =	sld [smem:$0x3FC8];
	(tm) =	ssettm $0x1  }
0x92: {  	s4 =	sld [smem:$0x3FFB];
	_ =	sdelay $0x3  }
0x93: {  	_ =	strace s4  }
0x94: {  	s4 =	sld [smem:$0x3FFC];
	_ =	sdelay $0x3  }
0x95: {  	_ =	strace s4  }
0x96: {  	s4 =	sld [smem:$0x3FFD];
	_ =	sdelay $0x3  }
0x97: {  	_ =	strace s4  }
0x98: {  	_ =	strace $0x8FFFFFFF  }
0x99: {  	s19 =	sld [smem:$0x3FDB];
	_ =	sdelay $0x1  }
0x9a: {  	s5 =	simm.s32 $_scs_section_size  }
0x9b: {  	s6 =	simm.s32 $_size__tile_overlayer_lowered;
	s7 =	simm.s32 $_tile_overlayer_lowered  }
0x9c: {  	s22 =	simm.s32 $0x1BFF;
	s21 =	sshll.u32 s7, $0x1;
	s4 =	sadd.s32 s5, s19  }
0x9d: {  	s8 =	simm.s32 $0x0;
	s20 =	sshll.u32 s6, $0x1;
	s6 =	sadd.s32 s21, s4  }
0x9e: {  	[timem:s8], [sflag:s22] =	dma.local [hbm:s6], s20  }
0x9f: {  	_ =	swait.ge [sflag:s22], s20  }
0xa0: {  	s5 =	ssub.s32 $0x0, s20;
	[sflag:s22] =	ssyncset.done $0x0  }
0xa1: {  	[sflag:s22] =	ssyncadd.s32 s5;
	_ =	sdelay $0x1  }
0xa2: {  	s23 =	simm.s32 $0x1B8B  }
0xa3: {  	_ =	swait.ge [sflag:s23], $0x1  }
0xa4: {  	[sflag:s23] =	ssyncset.done $0x0  }
0xa5: {  	s25 =	simm.s32 $0x1B8E;
	s24 =	sld [smem:$0x3FFE];
	[sflag:s23] =	ssyncadd.s32 $0xFFFFFFFF  }
0xa6: {  	s26 =	simm.s32 $execute0_lowered;
	[smem:$0x3FD2] =	sst s25  }
0xa7: {  	s6 =	sshll.u32 s26, $0x1;
	_ =	strace $0x80000046;
	[dreg:$0x1] =	wrdreg $0xFFFFFFFF  }
0xa8: {  	s28 =	simm.s32 $_size_execute0_lowered;
	s4 =	sadd.s32 s4, s6;
	[dreg:$0x0] =	wrdreg $0x0  }
0xa9: {  	s6 =	sshll.u32 s28, $0x1;
	[dreg:$0x2] =	wrdreg s4  }
0xaa: {  	[dreg:$0x3] =	wrdreg s6  }
0xab: {  	[dreg:$0x4] =	wrdreg $0xC0  }
0xac: {  	_ =	task [dreg:s8], $0x5FFFF  }
0xad: {  	[dreg:$0x1] =	wrdreg $0xFFFFFFFF  }
0xae: {  	[dreg:$0x0] =	wrdreg $0x60  }
0xaf: {  	[dreg:$0x2] =	wrdreg s2  }
0xb0: {  	[dreg:$0x3] =	wrdreg s18  }
0xb1: {  	[dreg:$0x4] =	wrdreg s24  }
0xb2: {  	[dreg:$0x5] =	wrdreg $0x9  }
0xb3: {  	_ =	task.clear_ibuf [dreg:s8], $0x6FFFF;
	_ =	strace $0x90000046  }
0xb4: {  	s29 =	simm.s32 $0x9;
	_ =	strace $0x80000048  }
0xb5: {  	_ =	swait.ge [sflag:s29], $0x1  }
0xb6: {  	[sflag:s29] =	ssyncadd.s32 $0xFFFFFFFF  }
0xb7: {  	_ =	strace $0x90000048  }
0xb8: {  	_ =	sfence  }
0xb9: {  	s30 =	sld [smem:$0x0];
	_ =	sdelay $0x2  }
0xba: {  	s31 =	sshll.u32 s1, $0xD;
	s1 =	sshrl.u32 s1, $0x2  }
0xbb: {  	s3 =	sand.u32 $0x4000, s31;
	s1 =	sadd.s32 s1, s30  }
0xbc: {  	s0 =	sor.u32 s3, s0;
	s1 =	sshll.u32 s1, $0x11  }
0xbd: {  	s0 =	sor.u32 s1, s0  }
0xbe: {  	s0 =	sadd.s32 $0x8F2B, s0  }
0xbf: {  	[sflag:s0] =	ssyncadd.remote.s32 $0x1  }
0xc0: {  	_ =	sfence.sel $0xFFFF  }
0xc1: {  	[dreg:$0x0] =	wrdreg $0xFFFFFFFF;
	(pc) =	sbr.abs _section_cstart, $3  }
0xc2: {  	[dreg:$0x1] =	wrdreg $0xFFFFFFFF  }
0xc3: {  	_ =	task.clear_ibuf [dreg:s8], $0x2FFFF;
	_ =	strace $0x9FFFFFFF  }
0xc4: {  	(tm) =	ssettm $0x7FFFFFFF  }
0xc5: {  	_ =	shalt  }
tec
execute0_lowered:
.L_overlay_start_1:
0x0: {  	(tag) =	ssettag $0x1  }
0x1: {  	s1 =	srdreg.scid;
	s0 =	stileid.u32  }
0x2: {  	s1 =	sand.u32 $0x1, s1;
	s2 =	sshll.u32 s0, $0x1  }
0x3: {  	s7 =	sor.u32 s1, s2  }
0x4: {  	s5 =	rddreg [dreg:$0x1];
	s3 =	smul.u32 $0x60, s7  }
0x5: {  	s8 =	rddreg [dreg:$0x2];
	s4 =	simm.s32 $0x0;
	s11 =	simm.s32 $0x6400  }
0x6: {  	s12 =	simm.s32 $0x3E800;
	s14 =	simm.s32 $0xC880;
	s3 =	sadd.s32 $0x1400, s3  }
0x7: {  	s15 =	simm.s32 $0x1;
	s16 =	simm.s32 $0x2;
	s6 =	sshrl.u32 s3, $0x3  }
0x8: {  	s17 =	simm.s32 $0x19080;
	s18 =	simm.s32 $0x0;
	s9 =	smul.u32 $0x3E800, s6  }
.Ltmp0:
0x9: {  	[smem:$0x7FF] =	sst s4;
	s1 =	ssub.s32 $0x2, s1;
	(pc) =	sbr.rel .LBB2_1-.Ltmp0, $4  }
0xa: {  	s2 =	rddreg [dreg:$0x0];
	_ =	strace $0x80000047;
	s10 =	sshrl.u32 s1, $0x1  }
0xb: {  	s31 =	sshll.u32 s7, $0x1;
	s1 =	ssub.s32 s1, s10;
	s9 =	sshrl.u32 s9, $0x3  }
0xc: {  	s8 =	sadd.s32 s8, s31;
	s5 =	sadd.s32 s5, s6;
	s6 =	sadd.s32 s2, s9  }
0xd: {  	v0 =	vlaneseq.u32;
	s10 =	simm.s32 $0x3;
	s9 =	smax.u32 s1, $0x1;
	s7 =	sadd.s32 $0xC80, s6  }
.LBB2_8:
0xe: {  	v1 =	vmul.f32 $-3.124999920e-06, v1;
	v2 =	vmul.f32 $-8.999968760e-01, v18;
	_ =	sdelay $0x1  }
0xf: {  	s18 =	sadd.s32 $0x1, s18;
	v1 =	vadd.f32 v2, v1  }
0x10: {  	p0 =	sne.s32 s18, s9  }
.Ltmp1:
0x11: {  	[tilespmem:$0x19080] =	vst v1;
	(pc) =	sbr.rel @!p0 .LBB2_9-.Ltmp1, $4  }
0x12: {  	[hbm4b:s8+s4] =	stream.linear.scatter [tilespmem:s17], [sflag:$0x3], $0x10, $0x38;
	[tilespmem:$0x19100] =	vst v63  }
0x13: {  	_ =	swait.ge [sflag:s10], $0x10  }
0x14: {  	[sflag:s10] =	ssyncset.done $0x0  }
0x15: {  	[sflag:s10] =	ssyncadd.s32 $0xFFFFFFF0  }
.LBB2_1:
0x16: {  	[tilespmem:s4], [sflag:$0x3] =	stream.linear.gather [hbm4b:s5+s4], $0x60, $0x38;
	[tilespmem:$0x19100] =	vst v63  }
0x17: {  	_ =	swait.ge [sflag:s10], $0x60  }
0x18: {  	[sflag:s10] =	ssyncset.done $0x0  }
0x19: {  	s0 =	simm.s32 $0x80;
	s19 =	simm.s32 $0xC80;
	[sflag:s10] =	ssyncadd.s32 $0xFFFFFFA0  }
0x1a: {  	[tilespmem:s0], [sflag:$0x1] =	stream.strided.gather [hbm4b:s6+s11], $0xC800, s12, s11, $0x38;
	[tilespmem:$0x19100] =	vst v63  }
0x1b: {  	s20 =	simm.s32 $0x0;
	s21 =	simm.s32 $0x0;
	s22 =	simm.s32 $0x0  }
0x1c: {  	v18 =	vimm.f32 $0.0e+00;
	v1 =	vimm.f32 $0.0e+00;
	[tilespmem:s14], [sflag:$0x2] =	stream.strided.gather [hbm4b:s7+s11], $0xC800, s12, s11, $0x38;
	[tilespmem:$0x19100] =	vst v63  }
.LBB2_2:
0x1d: {  	s1 =	smul.u32 $0xCD, s22;
	_ =	sdelay $0x1  }
0x1e: {  	_ =	swait.ge [sflag:s15], $0xC800;
	s1 =	sshrl.u32 s1, $0x4  }
0x1f: {  	[sflag:s15] =	ssyncset.done $0x0;
	s1 =	sand.u32 $0xFC0, s1  }
0x20: {  	[sflag:s15] =	ssyncadd.s32 $0xFFFF3800;
	s25 =	sshrl.u32 s1, $0x2  }
0x21: {  	v17 =	vld [tilespmem:s25+$0x0]  }
0x22: {  	s0 =	simm.s32 $0x0  }
0x23: {  	s23 =	sand.u32 $0x70, s0;
	s24 =	sand.u32 $0x7C00, s0  }
0x24: {  	s26 =	smulhi.u32 $0xCCCCCCCD, s20;
	s24 =	sor.u32 s23, s24  }
0x25: {  	v23 =	vld [tilespmem:s24+$0x280]  }
0x26: {  	s13 =	sshrl.u32 s26, $0x3;
	v24 =	vld [tilespmem:s24+$0x180];
	v2 =	vbroadcast v17, $0x0;
	v3 =	vbroadcast v17, $0x1  }
0x27: {  	s23 =	smul.u32 $0x7D00, s13;
	v27 =	vld [tilespmem:s24+$0x300];
	v4 =	vbroadcast v17, $0x2;
	v5 =	vbroadcast v17, $0x3  }
0x28: {  	v30 =	vld [tilespmem:s24+$0x200];
	v6 =	vbroadcast v17, $0x4;
	v7 =	vbroadcast v17, $0x5  }
0x29: {  	s26 =	ssub.s32 s21, s23;
	v8 =	vbroadcast v17, $0x6;
	v9 =	vbroadcast v17, $0x7  }
0x2a: {  	v19 =	vld [tilespmem:s24+$0x6500];
	s28 =	sadd.s32 $0x0, s26;
	v10 =	vbroadcast v17, $0x8;
	v11 =	vbroadcast v17, $0x9  }
0x2b: {  	v20 =	vld [tilespmem:s24+$0x6580];
	v25 =	vor.u32 s28, v0;
	v12 =	vbroadcast v17, $0xA;
	v13 =	vbroadcast v17, $0xB  }
0x2c: {  	v21 =	vld [tilespmem:s24+$0x6600];
	s1 =	sand.u32 $0x7, s0;
	v41 =	vadd.f32 v27, v23;
	v14 =	vbroadcast v17, $0xC;
	v15 =	vbroadcast v17, $0xD  }
0x2d: {  	v22 =	vld [tilespmem:s24+$0x6700];
	s1 =	sshll.u32 s1, $0x4;
	v43 =	vadd.f32 v30, v24;
	v16 =	vbroadcast v17, $0xE;
	v17 =	vbroadcast v17, $0xF  }
0x2e: {  	v26 =	vld [tilespmem:s24+$0x6780];
	s1 =	sadd.s32 $0x0, s1;
	vm1 =	veq.s32 v25, v10;
	vm5 =	veq.s32 v25, v7;
	vm3 =	veq.s32 v25, v2  }
0x2f: {  	v29 =	vld [tilespmem:s24+$0x6480];
	s1 =	sor.u32 $0x380, s1;
	vm6 =	veq.s32 v25, v6;
	vm7 =	veq.s32 v25, v4;
	vm8 =	veq.s32 v25, v9  }
0x30: {  	v28 =	vld [tilespmem:s1+$0x80];
	vm2 =	veq.s32 v25, v8;
	vm4 =	veq.s32 v25, v13;
	vm9 =	veq.s32 v25, v5  }
0x31: {  	v33 =	vld [tilespmem:s24+$0x80];
	vm10 =	veq.s32 v25, v11;
	vm11 =	veq.s32 v25, v12;
	vm0 =	veq.s32 v25, v17  }
0x32: {  	v35 =	vld [tilespmem:s24+$0x6680];
	vm15 =	veq.s32 v25, v16;
	vm12 =	veq.s32 v25, v14;
	vm13 =	veq.s32 v25, v3  }
0x33: {  	v38 =	vld [tilespmem:s24+$0x6800];
	vm14 =	veq.s32 v25, v15;
	v31 =	vnsel vm10, $0x0, v19;
	v32 =	vnsel vm11, $0x0, v20  }
0x34: {  	v40 =	vld [tilespmem:s24+$0x100];
	v34 =	vnsel vm4, $0x0, v21;
	v20 =	vadd.f32 v21, v20;
	v50 =	vnsel vm7, $0x0, v24  }
0x35: {  	v36 =	vnsel vm15, $0x0, v26;
	v37 =	vnsel vm8, $0x0, v28;
	v25 =	vnsel vm6, $0x0, v23  }
0x36: {  	v39 =	vnsel vm5, $0x0, v27;
	v23 =	vnsel vm14, $0x0, v22;
	v27 =	vnsel vm3, $0x0, v33  }
0x37: {  	v42 =	vnsel vm1, $0x0, v29;
	v19 =	vadd.f32 v19, v29;
	v22 =	vadd.f32 v22, v35  }
0x38: {  	s31 =	simm.s32 $0x10;
	s28 =	simm.s32 $0x80;
	v24 =	vnsel vm9, $0x0, v30;
	v26 =	vadd.f32 v38, v26;
	v32 =	vadd.f32 v34, v32  }
0x39: {  	s0 =	sand.u32 $0x70, s31;
	s13 =	sand.u32 $0x7C00, s28;
	v29 =	vnsel vm13, $0x0, v40;
	v25 =	vadd.f32 v39, v25;
	v31 =	vadd.f32 v31, v42  }
0x3a: {  	s28 =	sor.u32 s0, s13;
	v21 =	vld [tilespmem:s24+$0x380];
	v30 =	vnsel vm12, $0x0, v35;
	s24 =	sadd.s32 $0x10, s26;
	v24 =	vadd.f32 v24, v50;
	v27 =	vadd.f32 v29, v27  }
0x3b: {  	v53 =	vld [tilespmem:s28+$0x6580];
	v52 =	vor.u32 s24, v0;
	v23 =	vadd.f32 v23, v30;
	v30 =	vadd.f32 v40, v33  }
0x3c: {  	v54 =	vld [tilespmem:s28+$0x280];
	v20 =	vadd.f32 v20, v19;
	vm3 =	veq.s32 v52, v10;
	vm5 =	veq.s32 v52, v7  }
0x3d: {  	v58 =	vld [tilespmem:s28+$0x300];
	vm4 =	veq.s32 v52, v2;
	vm7 =	veq.s32 v52, v6;
	vm9 =	veq.s32 v52, v4  }
0x3e: {  	vm8 =	veq.s32 v52, v9;
	vm6 =	veq.s32 v52, v5;
	vm1 =	veq.s32 v52, v17  }
0x3f: {  	s31 =	simm.s32 $0x1;
	v44 =	vld [tilespmem:s28+$0x200];
	vm15 =	veq.s32 v52, v11;
	vm12 =	veq.s32 v52, v12;
	vm13 =	veq.s32 v52, v16  }
0x40: {  	s1 =	sand.u32 $0x7, s31;
	v55 =	vld [tilespmem:s28+$0x180];
	v26 =	vadd.f32 v26, v22;
	vm14 =	veq.s32 v52, v14;
	v31 =	vadd.f32 v32, v31  }
0x41: {  	s1 =	sshll.u32 s1, $0x4;
	v29 =	vld [tilespmem:s28+$0x6600];
	v56 =	vadd.f32 v24, v27;
	v57 =	vnsel vm12, $0x0, v53;
	v59 =	vadd.f32 v43, v30  }
0x42: {  	s1 =	sadd.s32 $0x80, s1;
	v33 =	vld [tilespmem:s28+$0x6480];
	v45 =	vnsel vm7, $0x0, v54;
	v46 =	vnsel vm5, $0x0, v58;
	v63 =	vadd.f32 v26, v20  }
0x43: {  	s1 =	sor.u32 $0x380, s1;
	v19 =	vld [tilespmem:s28+$0x6500];
	v51 =	vnsel vm2, $0x0, v21;
	v28 =	vadd.f32 v28, v21;
	v21 =	vnsel vm0, $0x0, v38  }
0x44: {  	v27 =	vld [tilespmem:s1+$0x80];
	v40 =	vnsel vm6, $0x0, v44;
	v20 =	vadd.f32 v58, v54;
	v36 =	vadd.f32 v21, v36  }
0x45: {  	vm0 =	veq.s32 v52, v8;
	vm2 =	veq.s32 v52, v13;
	v38 =	vld [tilespmem:s28+$0x6680];
	v37 =	vadd.f32 v37, v51  }
0x46: {  	v21 =	vld [tilespmem:s28+$0x6700];
	v60 =	vnsel vm2, $0x0, v29;
	v30 =	vadd.f32 v29, v53;
	v23 =	vadd.f32 v36, v23  }
0x47: {  	vm2 =	veq.s32 v52, v3;
	v29 =	vnsel vm9, $0x0, v55;
	v37 =	vadd.f32 v37, v25;
	v25 =	vld [tilespmem:s28+$0x6780]  }
0x48: {  	v42 =	vnsel vm3, $0x0, v33;
	v28 =	vadd.f32 v28, v41;
	v62 =	vadd.f32 v23, v31;
	v23 =	vld [tilespmem:s28+$0x80]  }
0x49: {  	v24 =	vnsel vm15, $0x0, v19;
	v22 =	vadd.f32 v60, v57;
	v61 =	vadd.f32 v37, v56  }
0x4a: {  	v39 =	vld [tilespmem:s28+$0x380];
	vm15 =	veq.s32 v52, v15;
	v36 =	vadd.f32 v46, v45;
	v28 =	vadd.f32 v28, v59  }
0x4b: {  	v43 =	vld [tilespmem:s28+$0x6800];
	v31 =	vnsel vm8, $0x0, v27;
	v37 =	vnsel vm14, $0x0, v38;
	v34 =	vadd.f32 v62, v61  }
0x4c: {  	s30 =	simm.s32 $0x20;
	s29 =	simm.s32 $0x2;
	v41 =	vadd.f32 v63, v28;
	v28 =	vadd.f32 v44, v55;
	v32 =	vnsel vm13, $0x0, v25  }
0x4d: {  	s24 =	ssub.s32 s19, s23;
	s23 =	sshll.u32 s22, $0x1;
	v26 =	vld [tilespmem:s28+$0x100];
	s28 =	simm.s32 $0x100;
	v18 =	vadd.f32 v34, v18;
	v34 =	vnsel vm15, $0x0, v21;
	v35 =	vnsel vm4, $0x0, v23  }
.LBB2_3:
0x4e: {  	s1 =	sand.u32 $0x7, s29  }
0x4f: {  	s31 =	sadd.s32 s30, s26;
	s0 =	sand.u32 $0x70, s30;
	v44 =	vnsel vm0, $0x0, v39;
	v19 =	vadd.f32 v19, v33;
	v38 =	vadd.f32 v21, v38;
	s13 =	smov.u32 s30  }
0x50: {  	v39 =	vadd.f32 v27, v39;
	s13 =	sshll.u32 s1, $0x4;
	v45 =	vor.u32 s31, v0;
	s31 =	sand.u32 $0x7C00, s28;
	s1 =	sadd.s32 $0x10, s30;
	v46 =	vadd.f32 v43, v25  }
0x51: {  	p0 =	sne.s32 s30, $0xC70;
	v1 =	vadd.f32 v41, v1;
	v21 =	vnsel vm1, $0x0, v43;
	s13 =	sadd.s32 s13, s28;
	s31 =	sor.u32 s0, s31;
	v43 =	vadd.f32 v30, v19  }
0x52: {  	v24 =	vadd.f32 v24, v42;
	v25 =	vnsel vm2, $0x0, v26;
	v27 =	vadd.f32 v21, v32;
	s0 =	sor.u32 $0x380, s13;
	v19 =	vld [tilespmem:s31+$0x6500]  }
0x53: {  	v29 =	vadd.f32 v40, v29;
	v31 =	vadd.f32 v31, v44;
	vm3 =	veq.s32 v45, v10;
	v30 =	vld [tilespmem:s31+$0x6580]  }
0x54: {  	vm5 =	veq.s32 v45, v7;
	v33 =	vadd.f32 v25, v35;
	v25 =	vadd.f32 v34, v37;
	v32 =	vld [tilespmem:s31+$0x6600]  }
0x55: {  	vm4 =	veq.s32 v45, v2;
	vm7 =	veq.s32 v45, v6;
	v31 =	vadd.f32 v31, v36;
	v21 =	vld [tilespmem:s31+$0x6700]  }
0x56: {  	vm9 =	veq.s32 v45, v4;
	vm8 =	veq.s32 v45, v9;
	v35 =	vadd.f32 v27, v25;
	v34 =	vld [tilespmem:s31+$0x280]  }
0x57: {  	v23 =	vadd.f32 v26, v23;
	vm0 =	veq.s32 v45, v8;
	vm2 =	veq.s32 v45, v13;
	v36 =	vld [tilespmem:s31+$0x180]  }
0x58: {  	vm6 =	veq.s32 v45, v5;
	vm1 =	veq.s32 v45, v17;
	v37 =	vadd.f32 v22, v24;
	v25 =	vld [tilespmem:s31+$0x6780]  }
0x59: {  	vm10 =	veq.s32 v45, v11;
	vm11 =	veq.s32 v45, v12;
	v22 =	vadd.f32 v29, v33;
	v40 =	vld [tilespmem:s31+$0x300]  }
0x5a: {  	v28 =	vadd.f32 v28, v23;
	v24 =	vnsel vm10, $0x0, v19;
	v29 =	vnsel vm11, $0x0, v30;
	v27 =	vld [tilespmem:s0+$0x80]  }
0x5b: {  	v41 =	vadd.f32 v46, v38;
	vm11 =	veq.s32 v45, v16;
	v23 =	vnsel vm2, $0x0, v32;
	v33 =	vld [tilespmem:s31+$0x6480]  }
0x5c: {  	v42 =	vadd.f32 v31, v22;
	vm10 =	veq.s32 v45, v14;
	v30 =	vadd.f32 v32, v30;
	v44 =	vld [tilespmem:s31+$0x200]  }
0x5d: {  	v35 =	vadd.f32 v35, v37;
	vm2 =	veq.s32 v45, v3;
	v22 =	vadd.f32 v23, v29;
	v26 =	vld [tilespmem:s31+$0x100]  }
0x5e: {  	v20 =	vadd.f32 v39, v20;
	v29 =	vnsel vm9, $0x0, v36;
	v32 =	vnsel vm11, $0x0, v25;
	v23 =	vld [tilespmem:s31+$0x80]  }
0x5f: {  	v35 =	vadd.f32 v35, v42;
	v38 =	vld [tilespmem:s31+$0x6680];
	v31 =	vnsel vm8, $0x0, v27;
	vm8 =	veq.s32 v45, v15  }
.Ltmp2:
0x60: {  	v28 =	vadd.f32 v20, v28;
	v37 =	vadd.f32 v41, v43;
	v45 =	vnsel vm7, $0x0, v34;
	v39 =	vld [tilespmem:s31+$0x380];
	(pc) =	sbr.rel @p0 .LBB2_3-.Ltmp2, $4  }
0x61: {  	v18 =	vadd.f32 v35, v18;
	v46 =	vnsel vm5, $0x0, v40;
	v20 =	vadd.f32 v40, v34;
	v43 =	vld [tilespmem:s31+$0x6800]  }
0x62: {  	v41 =	vadd.f32 v37, v28;
	v34 =	vnsel vm8, $0x0, v21  }
0x63: {  	v42 =	vnsel vm3, $0x0, v33;
	v28 =	vadd.f32 v44, v36;
	v35 =	vnsel vm4, $0x0, v23  }
0x64: {  	s29 =	sadd.s32 $0x1, s29;
	s28 =	sadd.s32 $0x80, s28;
	s30 =	smov.u32 s1;
	v40 =	vnsel vm6, $0x0, v44;
	v36 =	vadd.f32 v46, v45;
	v37 =	vnsel vm10, $0x0, v38  }
0x65: {  	p0 =	seq.s32 s22, $0x1D  }
0x66: {  	s0 =	sadd.s32 @!p0 $0x2, s23  }
0x67: {  	s1 =	smulhi.u32 @!p0 $0x66666667, s0;
	_ =	sdelay $0x1  }
0x68: {  	s1 =	sshrl.u32 @!p0 s1, $0x2  }
0x69: {  	s13 =	sshll.u32 @!p0 s1, $0x4  }
0x6a: {  	s1 =	smul.u32 @!p0 $0xA, s1;
	s13 =	sadd.s32 @!p0 s3, s13  }
0x6b: {  	s13 =	sshrl.u32 @!p0 s13, $0x3  }
0x6c: {  	s0 =	ssub.s32 @!p0 s0, s1;
	s13 =	smul.u32 @!p0 $0x3E800, s13  }
0x6d: {  	s0 =	smul.u32 @!p0 $0x6400, s0  }
0x6e: {  	v2 =	vadd.f32 v19, v33  }
0x6f: {  	v3 =	vadd.f32 v21, v38;
	v4 =	vadd.f32 v27, v39;
	s0 =	sadd.s32 @!p0 s0, s13  }
0x70: {  	v8 =	vadd.f32 v24, v42;
	v9 =	vnsel vm2, $0x0, v26;
	v10 =	vadd.f32 v40, v29;
	s26 =	simm.s32 @!p0 $0x80;
	s0 =	sshrl.u32 @!p0 s0, $0x3  }
0x71: {  	v11 =	vadd.f32 v34, v37;
	v12 =	vadd.f32 v26, v23;
	v6 =	vnsel vm1, $0x0, v43;
	s1 =	simm.s32 @!p0 $0x6400;
	s13 =	simm.s32 @!p0 $0x3E800;
	s0 =	sadd.s32 @!p0 s2, s0  }
0x72: {  	v9 =	vadd.f32 v9, v35;
	v7 =	vadd.f32 v30, v2;
	v2 =	vnsel vm0, $0x0, v39;
	[tilespmem:s26], [sflag:$0x1] =	stream.strided.gather @!p0 [hbm4b:s0+s1], $0xC800, s13, s1, $0x38;
	[tilespmem:$0x19100] =	vst v63  }
0x73: {  	v6 =	vadd.f32 v6, v32;
	v2 =	vadd.f32 v31, v2;
	_ =	swait.ge [sflag:s16], $0xC800  }
0x74: {  	v8 =	vadd.f32 v22, v8;
	v9 =	vadd.f32 v10, v9;
	[sflag:s16] =	ssyncset.done $0x0  }
0x75: {  	v6 =	vadd.f32 v6, v11;
	v2 =	vadd.f32 v2, v36;
	[sflag:s16] =	ssyncadd.s32 $0xFFFF3800  }
0x76: {  	v5 =	vadd.f32 v43, v25;
	v10 =	vadd.f32 v28, v12;
	v17 =	vld [tilespmem:s25+$0x0]  }
0x77: {  	v8 =	vadd.f32 v6, v8;
	v9 =	vadd.f32 v2, v9  }
0x78: {  	v5 =	vadd.f32 v5, v3;
	v3 =	vadd.f32 v4, v20;
	s26 =	simm.s32 $0x0  }
0x79: {  	v12 =	vadd.f32 v8, v9;
	s28 =	sand.u32 $0x70, s26;
	s29 =	sand.u32 $0x7C00, s26  }
0x7a: {  	v10 =	vadd.f32 v3, v10;
	s30 =	sor.u32 s28, s29  }
0x7b: {  	v19 =	vadd.f32 v12, v18;
	v18 =	vld [tilespmem:s30+$0xCA80];
	v2 =	vbroadcast v17, $0x0;
	v3 =	vbroadcast v17, $0x1  }
0x7c: {  	v11 =	vadd.f32 v5, v7;
	v24 =	vld [tilespmem:s30+$0xC980];
	v4 =	vbroadcast v17, $0x2;
	v5 =	vbroadcast v17, $0x3  }
0x7d: {  	v1 =	vadd.f32 v41, v1;
	v27 =	vld [tilespmem:s30+$0xCB00];
	v6 =	vbroadcast v17, $0x4;
	v7 =	vbroadcast v17, $0x5  }
0x7e: {  	s31 =	sadd.s32 $0x0, s24;
	v13 =	vadd.f32 v11, v10;
	v30 =	vld [tilespmem:s30+$0xCA00];
	v8 =	vbroadcast v17, $0x6;
	v9 =	vbroadcast v17, $0x7  }
0x7f: {  	v25 =	vor.u32 s31, v0;
	v20 =	vld [tilespmem:s30+$0x12D00];
	v10 =	vbroadcast v17, $0x8;
	v11 =	vbroadcast v17, $0x9  }
0x80: {  	v1 =	vadd.f32 v13, v1;
	s13 =	sadd.s32 $0x10, s24;
	v21 =	vld [tilespmem:s30+$0x12D80];
	v12 =	vbroadcast v17, $0xA;
	v13 =	vbroadcast v17, $0xB  }
0x81: {  	s0 =	sand.u32 $0x7, s26;
	v48 =	vor.u32 s13, v0;
	v22 =	vld [tilespmem:s30+$0x12E00];
	v14 =	vbroadcast v17, $0xC;
	v15 =	vbroadcast v17, $0xD  }
0x82: {  	s0 =	sshll.u32 s0, $0x4;
	v23 =	vld [tilespmem:s30+$0x12F00];
	v16 =	vbroadcast v17, $0xE;
	v17 =	vbroadcast v17, $0xF;
	v63 =	vadd.f32 v27, v18  }
0x83: {  	s0 =	sadd.s32 $0x0, s0;
	v26 =	vld [tilespmem:s30+$0x12F80];
	v46 =	vadd.f32 v30, v24;
	vm1 =	veq.s32 v25, v10;
	vm5 =	veq.s32 v25, v7  }
0x84: {  	s0 =	sor.u32 $0x380, s0;
	v29 =	vld [tilespmem:s30+$0x12C80];
	vm3 =	veq.s32 v25, v2;
	vm6 =	veq.s32 v25, v6;
	vm7 =	veq.s32 v25, v4  }
0x85: {  	v28 =	vld [tilespmem:s0+$0xC880];
	vm8 =	veq.s32 v25, v9;
	vm2 =	veq.s32 v25, v8;
	vm4 =	veq.s32 v25, v13  }
0x86: {  	v33 =	vld [tilespmem:s30+$0xC880];
	vm9 =	veq.s32 v25, v5;
	vm10 =	veq.s32 v25, v11;
	vm11 =	veq.s32 v25, v12  }
0x87: {  	v55 =	vld [tilespmem:s30+$0x12E80];
	vm0 =	veq.s32 v25, v17;
	vm15 =	veq.s32 v25, v16;
	vm12 =	veq.s32 v25, v14  }
0x88: {  	v56 =	vld [tilespmem:s30+$0xCB80];
	vm13 =	veq.s32 v25, v3;
	vm14 =	veq.s32 v25, v15;
	v31 =	vnsel vm10, $0x0, v20  }
0x89: {  	v60 =	vld [tilespmem:s30+$0x13000];
	v53 =	vnsel vm11, $0x0, v21;
	v54 =	vnsel vm4, $0x0, v22;
	v21 =	vadd.f32 v22, v21  }
0x8a: {  	v57 =	vnsel vm7, $0x0, v24;
	v58 =	vnsel vm15, $0x0, v26;
	v59 =	vnsel vm8, $0x0, v28  }
0x8b: {  	v25 =	vnsel vm6, $0x0, v18;
	v61 =	vnsel vm5, $0x0, v27;
	v27 =	vnsel vm14, $0x0, v23  }
0x8c: {  	v45 =	vnsel vm3, $0x0, v33;
	v18 =	vnsel vm1, $0x0, v29;
	v24 =	vnsel vm9, $0x0, v30  }
0x8d: {  	v62 =	vld [tilespmem:s30+$0xC900];
	v30 =	vnsel vm12, $0x0, v55;
	v20 =	vadd.f32 v20, v29;
	v29 =	vadd.f32 v23, v55  }
0x8e: {  	s26 =	simm.s32 $0x80;
	s25 =	simm.s32 $0x10;
	v47 =	vnsel vm2, $0x0, v56;
	v28 =	vadd.f32 v28, v56;
	v26 =	vadd.f32 v60, v26  }
0x8f: {  	s29 =	sand.u32 $0x7C00, s26;
	s28 =	sand.u32 $0x70, s25;
	v23 =	vnsel vm0, $0x0, v60;
	vm3 =	veq.s32 v48, v10;
	vm5 =	veq.s32 v48, v7  }
0x90: {  	s30 =	sor.u32 s28, s29;
	vm4 =	veq.s32 v48, v2;
	vm6 =	veq.s32 v48, v6;
	vm9 =	veq.s32 v48, v4  }
0x91: {  	v49 =	vld [tilespmem:s30+$0x12D80];
	vm8 =	veq.s32 v48, v9;
	vm1 =	veq.s32 v48, v8;
	vm2 =	veq.s32 v48, v13  }
0x92: {  	v52 =	vld [tilespmem:s30+$0x12E00];
	v33 =	vadd.f32 v62, v33;
	vm7 =	veq.s32 v48, v5;
	v22 =	vadd.f32 v54, v53  }
0x93: {  	v38 =	vld [tilespmem:s30+$0x12E80];
	vm0 =	veq.s32 v48, v17;
	v25 =	vadd.f32 v61, v25;
	v31 =	vadd.f32 v31, v18  }
0x94: {  	vm15 =	veq.s32 v48, v11;
	v56 =	vld [tilespmem:s30+$0xCB00];
	v23 =	vadd.f32 v23, v58;
	v24 =	vadd.f32 v24, v57  }
0x95: {  	vm12 =	veq.s32 v48, v12;
	v18 =	vld [tilespmem:s30+$0x12D00];
	v50 =	vadd.f32 v59, v47;
	v27 =	vadd.f32 v27, v30  }
0x96: {  	vm14 =	veq.s32 v48, v14;
	v53 =	vld [tilespmem:s30+$0xCA80];
	v21 =	vadd.f32 v21, v20;
	v57 =	vadd.f32 v46, v33  }
0x97: {  	s31 =	simm.s32 $0x1;
	v54 =	vld [tilespmem:s30+$0xC980];
	v20 =	vnsel vm13, $0x0, v62;
	v26 =	vadd.f32 v26, v29;
	v29 =	vadd.f32 v52, v49  }
0x98: {  	s0 =	sand.u32 $0x7, s31;
	v55 =	vnsel vm12, $0x0, v49;
	v59 =	vld [tilespmem:s30+$0xCA00];
	v28 =	vadd.f32 v28, v63;
	v51 =	vadd.f32 v20, v45  }
0x99: {  	s0 =	sshll.u32 s0, $0x4;
	v58 =	vnsel vm2, $0x0, v52;
	v33 =	vld [tilespmem:s30+$0x12C80];
	v25 =	vadd.f32 v50, v25;
	v30 =	vadd.f32 v23, v27  }
0x9a: {  	s0 =	sadd.s32 $0x80, s0;
	vm2 =	veq.s32 v48, v3;
	v20 =	vld [tilespmem:s30+$0x12F00];
	v22 =	vadd.f32 v22, v31;
	v28 =	vadd.f32 v28, v57  }
0x9b: {  	s0 =	sor.u32 $0x380, s0;
	v39 =	vnsel vm14, $0x0, v38;
	v23 =	vld [tilespmem:s30+$0x12F80];
	v62 =	vadd.f32 v26, v21;
	v31 =	vadd.f32 v24, v51  }
0x9c: {  	vm13 =	veq.s32 v48, v16;
	v27 =	vld [tilespmem:s0+$0xC880];
	v44 =	vadd.f32 v30, v22;
	v22 =	vadd.f32 v58, v55  }
0x9d: {  	v45 =	vnsel vm5, $0x0, v56;
	v24 =	vnsel vm15, $0x0, v18;
	v60 =	vadd.f32 v25, v31;
	v25 =	vld [tilespmem:s30+$0xC880]  }
0x9e: {  	v30 =	vnsel vm9, $0x0, v54;
	vm15 =	veq.s32 v48, v15;
	v21 =	vadd.f32 v56, v53  }
0x9f: {  	v40 =	vld [tilespmem:s30+$0xCB80];
	v63 =	vnsel vm6, $0x0, v53;
	v35 =	vadd.f32 v62, v28;
	v28 =	vadd.f32 v59, v54  }
0xa0: {  	v43 =	vld [tilespmem:s30+$0x13000];
	v41 =	vnsel vm7, $0x0, v59;
	v42 =	vnsel vm3, $0x0, v33;
	v61 =	vadd.f32 v44, v60  }
0xa1: {  	v37 =	vadd.f32 v45, v63;
	v32 =	vnsel vm13, $0x0, v23;
	v31 =	vnsel vm8, $0x0, v27  }
0xa2: {  	s1 =	simm.s32 $0x20;
	s26 =	simm.s32 $0x2;
	s25 =	simm.s32 $0x100;
	v26 =	vld [tilespmem:s30+$0xC900];
	v34 =	vnsel vm15, $0x0, v20;
	v19 =	vadd.f32 v61, v19;
	v36 =	vnsel vm4, $0x0, v25  }
.LBB2_5:
0xa3: {  	s0 =	sand.u32 $0x7, s26  }
0xa4: {  	s13 =	sadd.s32 s1, s24;
	s29 =	sand.u32 $0x70, s1;
	v44 =	vnsel vm1, $0x0, v40;
	v18 =	vadd.f32 v18, v33;
	v38 =	vadd.f32 v20, v38;
	s28 =	smov.u32 s1  }
0xa5: {  	v40 =	vadd.f32 v27, v40;
	s0 =	sshll.u32 s0, $0x4;
	v45 =	vor.u32 s13, v0;
	s13 =	sand.u32 $0x7C00, s25;
	s28 =	sadd.s32 $0x10, s1;
	v46 =	vadd.f32 v43, v23  }
0xa6: {  	p1 =	sne.s32 s1, $0xC70;
	v1 =	vadd.f32 v35, v1;
	v20 =	vnsel vm0, $0x0, v43;
	s0 =	sadd.s32 s0, s25;
	s29 =	sor.u32 s29, s13;
	v43 =	vadd.f32 v29, v18  }
0xa7: {  	v24 =	vadd.f32 v24, v42;
	v23 =	vnsel vm2, $0x0, v26;
	v27 =	vadd.f32 v20, v32;
	s0 =	sor.u32 $0x380, s0;
	v18 =	vld [tilespmem:s29+$0x12D00]  }
0xa8: {  	v30 =	vadd.f32 v41, v30;
	v31 =	vadd.f32 v31, v44;
	vm3 =	veq.s32 v45, v10;
	v29 =	vld [tilespmem:s29+$0x12D80]  }
0xa9: {  	vm5 =	veq.s32 v45, v7;
	v33 =	vadd.f32 v23, v36;
	v23 =	vadd.f32 v34, v39;
	v32 =	vld [tilespmem:s29+$0x12E00]  }
0xaa: {  	vm4 =	veq.s32 v45, v2;
	vm7 =	veq.s32 v45, v6;
	v31 =	vadd.f32 v31, v37;
	v20 =	vld [tilespmem:s29+$0x12F00]  }
0xab: {  	vm9 =	veq.s32 v45, v4;
	vm8 =	veq.s32 v45, v9;
	v35 =	vadd.f32 v27, v23;
	v34 =	vld [tilespmem:s29+$0xCA80]  }
0xac: {  	v25 =	vadd.f32 v26, v25;
	vm1 =	veq.s32 v45, v8;
	vm2 =	veq.s32 v45, v13;
	v37 =	vld [tilespmem:s29+$0xC980]  }
0xad: {  	vm6 =	veq.s32 v45, v5;
	vm0 =	veq.s32 v45, v17;
	v36 =	vadd.f32 v22, v24;
	v23 =	vld [tilespmem:s29+$0x12F80]  }
0xae: {  	vm10 =	veq.s32 v45, v11;
	vm11 =	veq.s32 v45, v12;
	v22 =	vadd.f32 v30, v33;
	v39 =	vld [tilespmem:s29+$0xCB00]  }
0xaf: {  	v28 =	vadd.f32 v28, v25;
	v24 =	vnsel vm10, $0x0, v18;
	v30 =	vnsel vm11, $0x0, v29;
	v27 =	vld [tilespmem:s0+$0xC880]  }
0xb0: {  	v41 =	vadd.f32 v46, v38;
	vm11 =	veq.s32 v45, v16;
	v25 =	vnsel vm2, $0x0, v32;
	v33 =	vld [tilespmem:s29+$0x12C80]  }
0xb1: {  	v42 =	vadd.f32 v31, v22;
	vm10 =	veq.s32 v45, v14;
	v29 =	vadd.f32 v32, v29;
	v44 =	vld [tilespmem:s29+$0xCA00]  }
0xb2: {  	v35 =	vadd.f32 v35, v36;
	vm2 =	veq.s32 v45, v3;
	v22 =	vadd.f32 v25, v30;
	v26 =	vld [tilespmem:s29+$0xC900]  }
0xb3: {  	v21 =	vadd.f32 v40, v21;
	v30 =	vnsel vm9, $0x0, v37;
	v32 =	vnsel vm11, $0x0, v23;
	v25 =	vld [tilespmem:s29+$0xC880]  }
0xb4: {  	v35 =	vadd.f32 v35, v42;
	v38 =	vld [tilespmem:s29+$0x12E80];
	v31 =	vnsel vm8, $0x0, v27;
	vm8 =	veq.s32 v45, v15  }
.Ltmp3:
0xb5: {  	v28 =	vadd.f32 v21, v28;
	v36 =	vadd.f32 v41, v43;
	v45 =	vnsel vm7, $0x0, v34;
	v40 =	vld [tilespmem:s29+$0xCB80];
	(pc) =	sbr.rel @p1 .LBB2_5-.Ltmp3, $4  }
0xb6: {  	v19 =	vadd.f32 v35, v19;
	v46 =	vnsel vm5, $0x0, v39;
	v21 =	vadd.f32 v39, v34;
	v43 =	vld [tilespmem:s29+$0x13000]  }
0xb7: {  	v35 =	vadd.f32 v36, v28;
	v34 =	vnsel vm8, $0x0, v20  }
0xb8: {  	v42 =	vnsel vm3, $0x0, v33;
	v28 =	vadd.f32 v44, v37;
	v36 =	vnsel vm4, $0x0, v25  }
0xb9: {  	s26 =	sadd.s32 $0x1, s26;
	s25 =	sadd.s32 $0x80, s25;
	s1 =	smov.u32 s28;
	v41 =	vnsel vm6, $0x0, v44;
	v37 =	vadd.f32 v46, v45;
	v39 =	vnsel vm10, $0x0, v38  }
0xba: {  	v2 =	vadd.f32 v18, v33  }
0xbb: {  	v3 =	vadd.f32 v20, v38;
	v4 =	vadd.f32 v27, v40  }
0xbc: {  	v8 =	vadd.f32 v24, v42;
	v10 =	vadd.f32 v41, v30  }
0xbd: {  	v7 =	vnsel vm1, $0x0, v40;
	v11 =	vadd.f32 v34, v39;
	v12 =	vadd.f32 v26, v25  }
0xbe: {  	v9 =	vnsel vm2, $0x0, v26;
	v5 =	vadd.f32 v43, v23;
	v7 =	vadd.f32 v31, v7  }
0xbf: {  	v6 =	vnsel vm0, $0x0, v43;
	v9 =	vadd.f32 v9, v36;
	v2 =	vadd.f32 v29, v2  }
0xc0: {  	v6 =	vadd.f32 v6, v32;
	v8 =	vadd.f32 v22, v8  }
0xc1: {  	v62 =	vadd.f32 v28, v12;
	v4 =	vadd.f32 v4, v21  }
0xc2: {  	v7 =	vadd.f32 v7, v37;
	v9 =	vadd.f32 v10, v9  }
0xc3: {  	v3 =	vadd.f32 v5, v3;
	v6 =	vadd.f32 v6, v11  }
0xc4: {  	v4 =	vadd.f32 v4, v62;
	v63 =	vadd.f32 v7, v9  }
0xc5: {  	v2 =	vadd.f32 v3, v2;
	v6 =	vadd.f32 v6, v8  }
.Ltmp4:
0xc6: {  	v1 =	vadd.f32 v35, v1;
	(pc) =	sbr.rel @p0 .LBB2_8-.Ltmp4, $2  }
0xc7: {  	v2 =	vadd.f32 v2, v4;
	v3 =	vadd.f32 v6, v63;
	_ =	sdelay $0x1  }
0xc8: {  	v1 =	vadd.f32 v2, v1;
	v18 =	vadd.f32 v3, v19;
	_ =	sdelay $0x1  }
0xc9: {  	s0 =	sadd.s32 $0x3, s23  }
0xca: {  	s1 =	smulhi.u32 $0x66666667, s0;
	_ =	sdelay $0x1  }
0xcb: {  	s1 =	sshrl.u32 s1, $0x2  }
0xcc: {  	s13 =	sshll.u32 s1, $0x4  }
0xcd: {  	s1 =	smul.u32 $0xA, s1;
	s13 =	sadd.s32 s3, s13  }
0xce: {  	s13 =	sshrl.u32 s13, $0x3  }
0xcf: {  	s0 =	ssub.s32 s0, s1;
	s13 =	smul.u32 $0x3E800, s13  }
0xd0: {  	s0 =	smul.u32 $0x6400, s0  }
.Ltmp5:
0xd1: {  	_ = 	snop;
	(pc) =	sbr.rel .LBB2_2-.Ltmp5, $4  }
0xd2: {  	s0 =	sadd.s32 s0, s13  }
0xd3: {  	s22 =	sadd.s32 $0x1, s22;
	s21 =	sadd.s32 $0x1900, s21;
	s0 =	sshrl.u32 s0, $0x3  }
0xd4: {  	s20 =	sadd.s32 $0x2, s20;
	s19 =	sadd.s32 $0x1900, s19;
	s0 =	sadd.s32 s2, s0  }
0xd5: {  	[tilespmem:s14], [sflag:$0x2] =	stream.strided.gather [hbm4b:s0+s11], $0xC800, s12, s11, $0x38;
	[tilespmem:$0x19100] =	vst v63  }
.LBB2_9:
0xd6: {  	_ =	sfence.sel $0x180000  }
0xd7: {  	[bflag:$0x0] =	sbarrier.arrive $0xFFFF  }
0xd8: {  	_ =	strace $0x90000047  }
0xd9: {  	s0 =	stileid.u32;
	[bflag:$0x2] =	sbarrier.arrive $0xFFFF  }
0xda: {  	p0 =	sne.s32 s0, $0x0;
	s0 =	rddreg [dreg:$0x3]  }
0xdb: {  	s0 =	sadd.s32 @!p0 $0x100000, s0  }
0xdc: {  	[sflag:s0] =	ssyncadd.tile.s32 @!p0 $0x1;
	_ =	shalt  }
.Lfunc_end2:
_tile_overlayer_lowered:
.L_overlay_start_2:
0xdd: {  	(tag) =	ssettag $0x2  }
0xde: {  	s0 =	rddreg [dreg:$0x0];
	s2 =	stileid.u32  }
0xdf: {  	s1 =	rddreg [dreg:$0x1];
	p0 =	sne.s32 s2, $0x0  }
0xe0: {  	s3 =	rddreg [dreg:$0x2];
	[bflag:$0x3] =	sbarrier.arrive $0xFFFF;
	s2 =	simm.s32 @!p0 $0x1C03  }
0xe1: {  	[timem:s3], [sflag:s2] =	dma.local @!p0 [hbm:s0], s1  }
0xe2: {  	s0 =	simm.s32 @!p0 $0x3  }
0xe3: {  	_ =	swait.ge @!p0 [sflag:s0], s1  }
0xe4: {  	s1 =	ssub.s32 @!p0 $0x0, s1;
	[sflag:s0] =	ssyncset.done @!p0 $0x0  }
0xe5: {  	[sflag:s0] =	ssyncadd.s32 @!p0 s1  }
0xe6: {  	[bflag:$0x3] =	sbarrier.arrive $0xFFFF  }
0xe7: {  	_ =	shalt  }

</sc_bundles>
